<compile_context>
chip_gen: v7x
topology: tpu7x:2x2x1
jax: 0.10.2.dev20260603
libtpu: 0.0.44.dev20260713+nightly
codegen_flags: <defaults>
</compile_context>

<pallas_src>
import functools

import jax
import jax.numpy as jnp
from jax import lax
from jax.experimental import pallas as pl
from jax.experimental.pallas import tpu as pltpu
from jax.experimental.pallas import tpu_sc as plsc

NUM_NODES = 10000
NODE_DIM = 128
EDGE_DIM = 16
TIME_DIM = 32
MSG_DIM = 128
HID = 256

NC = 2
NS = 16
NW = NC * NS
L = 16

E = 320000
EPW = E // NW
CH = 80
NCHUNK = EPW // CH

NPAD = 10240
ROWS_PER_TILE = NPAD // NS
ZROWS = 128

_SC_MESH = dict(core_axis_name="c", subcore_axis_name="s")

CNT_W = 128


def _gather_kernel(nf_hbm, src_hbm, dst_hbm, gs_hbm, gd_hbm, cnt_out,
                   sidx, didx, rs, rd, ones_v, zcnt, cnt_sh, sem_s, sem_d):
    c = lax.axis_index("c")
    s = lax.axis_index("s")
    wid = s * NC + c
    base = wid * EPW
    row0 = s * ROWS_PER_TILE

    def zfill(i, carry):
        for j in range(CNT_W // L):
            zcnt[i, pl.ds(j * L, L)] = jnp.zeros((L,), jnp.float32)
        return carry

    lax.fori_loop(0, ZROWS, zfill, 0)

    def ofill(i, carry):
        for j in range(CNT_W // L):
            ones_v[i, pl.ds(j * L, L)] = jnp.ones((L,), jnp.float32)
        return carry

    lax.fori_loop(0, CH, ofill, 0)

    for r in range(ROWS_PER_TILE // ZROWS):
        pltpu.sync_copy(zcnt, cnt_sh.at[pl.ds(row0 + r * ZROWS, ZROWS)])
    plsc.subcore_barrier()

    def body(i, carry):
        off = base + i * CH
        pltpu.sync_copy(src_hbm.at[pl.ds(off, CH)], sidx)
        pltpu.sync_copy(dst_hbm.at[pl.ds(off, CH)], didx)
        cps = pltpu.async_copy(nf_hbm.at[sidx], rs, sem_s)
        cpd = pltpu.async_copy(nf_hbm.at[didx], rd, sem_d)
        cps.wait()
        cpd.wait()
        pltpu.sync_copy(rs, gs_hbm.at[pl.ds(off, CH)])
        pltpu.sync_copy(rd, gd_hbm.at[pl.ds(off, CH)])
        pltpu.sync_copy(ones_v, cnt_sh.at[didx], add=True)
        return carry

    lax.fori_loop(0, NCHUNK, body, 0)
    plsc.subcore_barrier()
    pltpu.sync_copy(cnt_sh.at[pl.ds(row0, ROWS_PER_TILE)],
                    cnt_out.at[c, pl.ds(row0, ROWS_PER_TILE)])


def _edge_gather(node_features, src_ids, dst_ids):
    k = functools.partial(
        pl.kernel,
        mesh=plsc.VectorSubcoreMesh(**_SC_MESH),
        out_type=(
            jax.ShapeDtypeStruct((E, NODE_DIM), jnp.float32),
            jax.ShapeDtypeStruct((E, NODE_DIM), jnp.float32),
            jax.ShapeDtypeStruct((NC, NPAD, CNT_W), jnp.float32),
        ),
        scratch_types=[
            pltpu.VMEM((CH,), jnp.int32),
            pltpu.VMEM((CH,), jnp.int32),
            pltpu.VMEM((CH, NODE_DIM), jnp.float32),
            pltpu.VMEM((CH, NODE_DIM), jnp.float32),
            pltpu.VMEM((CH, CNT_W), jnp.float32),
            pltpu.VMEM((ZROWS, CNT_W), jnp.float32),
            pltpu.VMEM_SHARED((NPAD, CNT_W), jnp.float32),
            pltpu.SemaphoreType.DMA,
            pltpu.SemaphoreType.DMA,
        ],
    )(_gather_kernel)
    return k(node_features, src_ids, dst_ids)


BE = 4000

_COS_C = (1.0000000154161346, -0.49999995223047783, 0.041666657273880726,
          -0.0013888875133643223, 2.480129847756029e-05,
          -2.7551975644742846e-07, 2.081840484507644e-09,
          -1.1118272968957399e-11, 3.658184866139891e-14)


def _cos_bounded(x):
    y = x * x
    acc = jnp.full_like(y, _COS_C[-1])
    for c in _COS_C[-2::-1]:
        acc = acc * y + c
    return acc


def _mlp_kernel(gs, gd, ef, ts, w1a, w1b, w1e, w1t, b1, w2, b2, wsum, bsum, out):
    t = ts[...]
    tenc = _cos_bounded(t * wsum[...] + bsum[...])
    h = (
        jnp.dot(gs[...].astype(jnp.bfloat16), w1a[...],
                preferred_element_type=jnp.float32)
        + jnp.dot(gd[...].astype(jnp.bfloat16), w1b[...],
                  preferred_element_type=jnp.float32)
        + jnp.dot(ef[...], w1e[...], preferred_element_type=jnp.float32)
        + jnp.dot(tenc, w1t[...], preferred_element_type=jnp.float32)
        + b1[...]
    )
    h = jnp.maximum(h, 0.0)
    m = jnp.dot(h.astype(jnp.bfloat16), w2[...],
                preferred_element_type=jnp.float32) + b2[...]
    out[...] = jnp.maximum(m, 0.0)


def _edge_mlp(gs, gd, edge_features, ts2d, w1a, w1b, w1e, w1t, b1, w2, b2,
              wsum, bsum):
    n_blocks = E // BE
    full = lambda shape: pl.BlockSpec(shape, lambda i: (0, 0))
    return pl.pallas_call(
        _mlp_kernel,
        grid=(n_blocks,),
        in_specs=[
            pl.BlockSpec((BE, NODE_DIM), lambda i: (i, 0)),
            pl.BlockSpec((BE, NODE_DIM), lambda i: (i, 0)),
            pl.BlockSpec((BE, EDGE_DIM), lambda i: (i, 0)),
            pl.BlockSpec((BE, 1), lambda i: (i, 0)),
            full((NODE_DIM, HID)),
            full((NODE_DIM, HID)),
            full((EDGE_DIM, HID)),
            full((TIME_DIM, HID)),
            full((1, HID)),
            full((HID, MSG_DIM)),
            full((1, MSG_DIM)),
            full((1, TIME_DIM)),
            full((1, TIME_DIM)),
        ],
        out_specs=pl.BlockSpec((BE, MSG_DIM), lambda i: (i, 0)),
        out_shape=jax.ShapeDtypeStruct((E, MSG_DIM), jnp.float32),
    )(gs, gd, edge_features, ts2d, w1a, w1b, w1e, w1t, b1, w2, b2, wsum, bsum)


def _scatter_kernel(msgs_hbm, dst_hbm, agg_out,
                    idx_v, rows_v, zbuf, agg_sh, sem):
    c = lax.axis_index("c")
    s = lax.axis_index("s")
    wid = s * NC + c
    base = wid * EPW
    row0 = s * ROWS_PER_TILE

    def zfill(i, carry):
        for j in range(MSG_DIM // L):
            zbuf[i, pl.ds(j * L, L)] = jnp.zeros((L,), jnp.float32)
        return carry

    lax.fori_loop(0, ZROWS, zfill, 0)
    for r in range(ROWS_PER_TILE // ZROWS):
        pltpu.sync_copy(zbuf, agg_sh.at[pl.ds(row0 + r * ZROWS, ZROWS)])
    plsc.subcore_barrier()

    def body(i, carry):
        off = base + i * CH
        pltpu.sync_copy(dst_hbm.at[pl.ds(off, CH)], idx_v)
        pltpu.sync_copy(msgs_hbm.at[pl.ds(off, CH)], rows_v)
        pltpu.sync_copy(rows_v, agg_sh.at[idx_v], add=True)
        return carry

    lax.fori_loop(0, NCHUNK, body, 0)
    plsc.subcore_barrier()

    pltpu.sync_copy(agg_sh.at[pl.ds(row0, ROWS_PER_TILE)],
                    agg_out.at[c, pl.ds(row0, ROWS_PER_TILE)])


def _aggregate(msgs, dst_ids):
    k = functools.partial(
        pl.kernel,
        mesh=plsc.VectorSubcoreMesh(**_SC_MESH),
        out_type=jax.ShapeDtypeStruct((NC, NPAD, MSG_DIM), jnp.float32),
        scratch_types=[
            pltpu.VMEM((CH,), jnp.int32),
            pltpu.VMEM((CH, MSG_DIM), jnp.float32),
            pltpu.VMEM((ZROWS, MSG_DIM), jnp.float32),
            pltpu.VMEM_SHARED((NPAD, MSG_DIM), jnp.float32),
            pltpu.SemaphoreType.DMA,
        ],
    )(_scatter_kernel)
    return k(msgs, dst_ids)


def _finale_kernel(aggp, cntp, nf, wih_t, bih, bhh, ew_m, ew_n, eb, cw, cb,
                   out):
    agg = aggp[0] + aggp[1]
    counts = cntp[0, :, 0:1] + cntp[1, :, 0:1]
    agg = (agg / jnp.maximum(counts, 1.0))[:NUM_NODES]
    gi = jnp.dot(agg, wih_t[...], preferred_element_type=jnp.float32) + bih[...]
    gh = bhh[...]
    r = jax.nn.sigmoid(gi[:, :MSG_DIM] + gh[:, :MSG_DIM])
    z = jax.nn.sigmoid(gi[:, MSG_DIM:2 * MSG_DIM] + gh[:, MSG_DIM:2 * MSG_DIM])
    n = jnp.tanh(gi[:, 2 * MSG_DIM:] + r * gh[:, 2 * MSG_DIM:])
    new_mem = (1.0 - z) * n
    emb = jnp.maximum(
        jnp.dot(new_mem, ew_m[...], preferred_element_type=jnp.float32)
        + jnp.dot(nf[...], ew_n[...], preferred_element_type=jnp.float32)
        + eb[...], 0.0)
    out[...] = jnp.dot(emb, cw[...], preferred_element_type=jnp.float32) + cb[...]


def _finale(aggp, cntp, node_features, wih_t, bih, bhh, ew_m, ew_n, eb, cw, cb):
    return pl.pallas_call(
        _finale_kernel,
        out_shape=jax.ShapeDtypeStruct((NUM_NODES, 2), jnp.float32),
    )(aggp, cntp, node_features, wih_t, bih, bhh, ew_m, ew_n, eb, cw, cb)


def kernel(node_features, src_ids, dst_ids, timestamps, edge_features,
           tw_W, tw_b, tb_W, tb_b,
           mlp_W1, mlp_b1, mlp_W2, mlp_b2,
           gru_Wih, gru_Whh, gru_bih, gru_bhh,
           emb_W, emb_b, cls_W, cls_b):
    src_ids = src_ids.astype(jnp.int32)
    dst_ids = dst_ids.astype(jnp.int32)

    w1a = mlp_W1[0:NODE_DIM].astype(jnp.bfloat16)
    w1b = mlp_W1[NODE_DIM:2 * NODE_DIM].astype(jnp.bfloat16)
    w1e = mlp_W1[512:512 + EDGE_DIM]
    w1t = mlp_W1[512 + EDGE_DIM:]
    b1 = mlp_b1.reshape(1, -1)
    b2 = mlp_b2.reshape(1, -1)
    wsum = (tw_W + tb_W).reshape(1, TIME_DIM)
    bsum = (tw_b + tb_b).reshape(1, TIME_DIM)
    wih_t = gru_Wih.T
    bih = gru_bih.reshape(1, -1)
    bhh = gru_bhh.reshape(1, -1)
    ew_m = emb_W[:MSG_DIM]
    ew_n = emb_W[MSG_DIM:]
    eb = emb_b.reshape(1, -1)
    cb = cls_b.reshape(1, -1)
    ts2d = timestamps.reshape(E, 1)

    gs, gd, cntp = _edge_gather(node_features, src_ids, dst_ids)
    msgs = _edge_mlp(gs, gd, edge_features, ts2d,
                     w1a, w1b, w1e, w1t, b1, mlp_W2.astype(jnp.bfloat16),
                     b2, wsum, bsum)
    aggp = _aggregate(msgs, dst_ids)
    return _finale(aggp, cntp, node_features, wih_t, bih, bhh,
                   ew_m, ew_n, eb, cls_W, cb)

# --- scband reference (transcript-rebuilt; emitter-appended) ---
"""Pipeline reference for scband-tgn-3667902071297 (READ-ONLY COPY).

The authoritative reference and input builder live on the scoring server;
editing this copy changes nothing except your own understanding.
"""

import jax, jax.numpy as jnp
import numpy as np

NUM_NODES = 10000
NODE_DIM = 128
EDGE_DIM = 16
MEM_DIM = 128
TIME_DIM = 32
MSG_DIM = 128
EMB_DIM = 128
NCLS = 2
E = 320000
MLP_IN = 2 * (NODE_DIM + MEM_DIM) + EDGE_DIM + TIME_DIM  # 560


def _unif(key, shape, fan_in):
    s = 1.0 / np.sqrt(fan_in)
    return jax.random.uniform(key, shape, jnp.float32, -s, s)


def setup_inputs(seed: int = 0) -> dict:
    key = jax.random.key(seed)
    ks = jax.random.split(key, 24)
    inp = {}
    inp["node_features"] = jax.random.normal(ks[0], (NUM_NODES, NODE_DIM), jnp.float32)
    inp["src_ids"] = jax.random.randint(ks[1], (E,), 0, NUM_NODES)
    inp["dst_ids"] = jax.random.randint(ks[2], (E,), 0, NUM_NODES)
    inp["timestamps"] = jax.random.uniform(ks[3], (E,), jnp.float32)
    inp["edge_features"] = jax.random.normal(ks[4], (E, EDGE_DIM), jnp.float32)
    # TimeEncoder params: two Linear(1, time_dim)
    inp["tw_W"] = _unif(ks[5], (TIME_DIM, 1), 1)
    inp["tw_b"] = _unif(ks[6], (TIME_DIM,), 1)
    inp["tb_W"] = _unif(ks[7], (TIME_DIM, 1), 1)
    inp["tb_b"] = _unif(ks[8], (TIME_DIM,), 1)
    # MessageFunction MLP: Linear(560, 256) -> ReLU -> Linear(256, 128) -> ReLU
    inp["mlp_W1"] = _unif(ks[9], (MLP_IN, 2 * MSG_DIM), MLP_IN)
    inp["mlp_b1"] = _unif(ks[10], (2 * MSG_DIM,), MLP_IN)
    inp["mlp_W2"] = _unif(ks[11], (2 * MSG_DIM, MSG_DIM), 2 * MSG_DIM)
    inp["mlp_b2"] = _unif(ks[12], (MSG_DIM,), 2 * MSG_DIM)
    # GRUCell(memory_dim, memory_dim)
    inp["gru_Wih"] = _unif(ks[13], (3 * MEM_DIM, MEM_DIM), MEM_DIM)
    inp["gru_Whh"] = _unif(ks[14], (3 * MEM_DIM, MEM_DIM), MEM_DIM)
    inp["gru_bih"] = _unif(ks[15], (3 * MEM_DIM,), MEM_DIM)
    inp["gru_bhh"] = _unif(ks[16], (3 * MEM_DIM,), MEM_DIM)
    # Embedding layer: Linear(memory_dim + node_dim, embedding_dim)
    inp["emb_W"] = _unif(ks[17], (MEM_DIM + NODE_DIM, EMB_DIM), MEM_DIM + NODE_DIM)
    inp["emb_b"] = _unif(ks[18], (EMB_DIM,), MEM_DIM + NODE_DIM)
    # Classifier: Linear(embedding_dim, num_classes)
    inp["cls_W"] = _unif(ks[19], (EMB_DIM, NCLS), EMB_DIM)
    inp["cls_b"] = _unif(ks[20], (NCLS,), EMB_DIM)
    return inp


def reference(node_features, src_ids, dst_ids, timestamps, edge_features,
              tw_W, tw_b, tb_W, tb_b,
              mlp_W1, mlp_b1, mlp_W2, mlp_b2,
              gru_Wih, gru_Whh, gru_bih, gru_bhh,
              emb_W, emb_b, cls_W, cls_b):
    # memory buffer (zeros at init, as in MemoryModule)
    memory = jnp.zeros((NUM_NODES, MEM_DIM), jnp.float32)
    # 1. gather memories and features per edge
    src_mem = memory[src_ids]
    dst_mem = memory[dst_ids]
    src_feat = node_features[src_ids]
    dst_feat = node_features[dst_ids]
    # 2. time encoding: cos(w(t) + b(t))
    t = timestamps[:, None]
    tenc = jnp.cos((t @ tw_W.T + tw_b) + (t @ tb_W.T + tb_b))
    # 3. message function (dropout in eval mode -> identity)
    mi = jnp.concatenate([src_feat, dst_feat, src_mem, dst_mem, edge_features, tenc], axis=-1)
    h = jax.nn.relu(mi @ mlp_W1 + mlp_b1)
    msgs = jax.nn.relu(h @ mlp_W2 + mlp_b2)
    # 4. mean aggregation per destination node (scatter-add + counts)
    agg = jnp.zeros((NUM_NODES, MSG_DIM), jnp.float32).at[dst_ids].add(msgs)
    counts = jnp.zeros((NUM_NODES,), jnp.float32).at[dst_ids].add(1.0)
    agg = agg / jnp.maximum(counts, 1.0)[:, None]
    # 5. GRUCell memory update (torch GRUCell math)
    gi = agg @ gru_Wih.T + gru_bih
    gh = memory @ gru_Whh.T + gru_bhh
    i_r, i_z, i_n = jnp.split(gi, 3, axis=-1)
    h_r, h_z, h_n = jnp.split(gh, 3, axis=-1)
    r = jax.nn.sigmoid(i_r + h_r)
    z = jax.nn.sigmoid(i_z + h_z)
    n = jnp.tanh(i_n + r * h_n)
    new_mem = (1.0 - z) * n + z * memory
    # 6. node embeddings from [memory, node_features]
    emb = jax.nn.relu(jnp.concatenate([new_mem, node_features], axis=-1) @ emb_W + emb_b)
    # 7. classifier logits
    logits = emb @ cls_W + cls_b
    return logits

if __name__ == "__main__":
    import jax
    _d = setup_inputs()
    print(jax.jit(kernel)(*tuple(_d.values())))

</pallas_src>

<mosaic_0001>
#map = affine_map<(d0, d1) -> (0, 0)>
#map1 = affine_map<(d0, d1) -> (0)>
#map2 = affine_map<(d0, d1) -> (0, 0, 0)>
module attributes {stable_mosaic.version = 14 : i64} {
  func.func @_gather_kernel(%arg0: i32, %arg1: i32, %arg2: memref<10000x128xf32, #tpu.memory_space<hbm>>, %arg3: memref<320000xi32, #tpu.memory_space<hbm>>, %arg4: memref<320000xi32, #tpu.memory_space<hbm>>, %arg5: memref<320000x128xf32, #tpu.memory_space<hbm>>, %arg6: memref<320000x128xf32, #tpu.memory_space<hbm>>, %arg7: memref<2x10240x128xf32, #tpu.memory_space<hbm>>, %arg8: memref<80xi32, #tpu.memory_space<vmem>>, %arg9: memref<80xi32, #tpu.memory_space<vmem>>, %arg10: memref<80x128xf32, #tpu.memory_space<vmem>>, %arg11: memref<80x128xf32, #tpu.memory_space<vmem>>, %arg12: memref<80x128xf32, #tpu.memory_space<vmem>>, %arg13: memref<128x128xf32, #tpu.memory_space<vmem>>, %arg14: memref<10240x128xf32, #tpu.memory_space<vmem_shared>>, %arg15: memref<!tpu.dma_semaphore, #tpu.memory_space<semaphore_mem>>, %arg16: memref<!tpu.dma_semaphore, #tpu.memory_space<semaphore_mem>>) attributes {dimension_semantics = [#tpu.dimension_semantics<core_parallel>, #tpu.dimension_semantics<subcore_parallel>], iteration_bounds = array<i64: 2, 16>, scalar_prefetch = 0 : i64, scratch_operands = 9 : i64, tpu.core_type = #tpu.core_type<sc_vector_subcore>, window_params = [{transform_indices = #map}, {transform_indices = #map1}, {transform_indices = #map1}, {transform_indices = #map}, {transform_indices = #map}, {transform_indices = #map2}]} {
    %mul3A = arith.constant 2 : i32
    %mul3A_0 = arith.muli %arg1, %mul3A : i32
    %add3A = arith.addi %mul3A_0, %arg0 : i32
    %mul3A_1 = arith.constant 10000 : i32
    %mul3A_2 = arith.muli %add3A, %mul3A_1 : i32
    %mul3A_3 = arith.constant 640 : i32
    %mul3A_4 = arith.muli %arg1, %mul3A_3 : i32
    %scan3A = arith.constant 0 : i32
    %scan3A_5 = arith.constant 0 : i32
    %scan3A_6 = arith.constant 128 : i32
    %scan3A_7 = arith.addi %scan3A_5, %scan3A_6 : i32
    %scan3A_8 = arith.constant 1 : i32
    scf.for %scan3A_33 = %scan3A_5 to %scan3A_7 step %scan3A_8  : i32 {
      %broadcast_in_dim3A = arith.constant 0.000000e+00 : f32
      %broadcast_in_dim3A_34 = vector.broadcast %broadcast_in_dim3A : f32 to vector<16xf32>
      %swap3A = arith.index_cast %scan3A_33 : i32 to index
      %swap3A_35 = arith.constant 0 : index
      %swap3A_36 = tpu.vector_load %arg13[%swap3A, %swap3A_35] {strides = array<i32>} : memref<128x128xf32, #tpu.memory_space<vmem>>, vector<1x16xf32>,
      %swap3A_37 = vector.shape_cast %swap3A_36 : vector<1x16xf32> to vector<16xf32>
      %swap3A_38 = vector.shape_cast %broadcast_in_dim3A_34 : vector<16xf32> to vector<1x16xf32>
      tpu.vector_store %arg13[%swap3A, %swap3A_35], %swap3A_38 {strides = array<i32>} : memref<128x128xf32, #tpu.memory_space<vmem>>, vector<1x16xf32>,
      %broadcast_in_dim3A_39 = arith.constant 0.000000e+00 : f32
      %broadcast_in_dim3A_40 = vector.broadcast %broadcast_in_dim3A_39 : f32 to vector<16xf32>
      %swap3A_41 = arith.index_cast %scan3A_33 : i32 to index
      %swap3A_42 = arith.constant 16 : index
      %swap3A_43 = tpu.vector_load %arg13[%swap3A_41, %swap3A_42] {strides = array<i32>} : memref<128x128xf32, #tpu.memory_space<vmem>>, vector<1x16xf32>,
      %swap3A_44 = vector.shape_cast %swap3A_43 : vector<1x16xf32> to vector<16xf32>
      %swap3A_45 = vector.shape_cast %broadcast_in_dim3A_40 : vector<16xf32> to vector<1x16xf32>
      tpu.vector_store %arg13[%swap3A_41, %swap3A_42], %swap3A_45 {strides = array<i32>} : memref<128x128xf32, #tpu.memory_space<vmem>>, vector<1x16xf32>,
      %broadcast_in_dim3A_46 = arith.constant 0.000000e+00 : f32
      %broadcast_in_dim3A_47 = vector.broadcast %broadcast_in_dim3A_46 : f32 to vector<16xf32>
      %swap3A_48 = arith.index_cast %scan3A_33 : i32 to index
      %swap3A_49 = arith.constant 32 : index
      %swap3A_50 = tpu.vector_load %arg13[%swap3A_48, %swap3A_49] {strides = array<i32>} : memref<128x128xf32, #tpu.memory_space<vmem>>, vector<1x16xf32>,
      %swap3A_51 = vector.shape_cast %swap3A_50 : vector<1x16xf32> to vector<16xf32>
      %swap3A_52 = vector.shape_cast %broadcast_in_dim3A_47 : vector<16xf32> to vector<1x16xf32>
      tpu.vector_store %arg13[%swap3A_48, %swap3A_49], %swap3A_52 {strides = array<i32>} : memref<128x128xf32, #tpu.memory_space<vmem>>, vector<1x16xf32>,
      %broadcast_in_dim3A_53 = arith.constant 0.000000e+00 : f32
      %broadcast_in_dim3A_54 = vector.broadcast %broadcast_in_dim3A_53 : f32 to vector<16xf32>
      %swap3A_55 = arith.index_cast %scan3A_33 : i32 to index
      %swap3A_56 = arith.constant 48 : index
      %swap3A_57 = tpu.vector_load %arg13[%swap3A_55, %swap3A_56] {strides = array<i32>} : memref<128x128xf32, #tpu.memory_space<vmem>>, vector<1x16xf32>,
      %swap3A_58 = vector.shape_cast %swap3A_57 : vector<1x16xf32> to vector<16xf32>
      %swap3A_59 = vector.shape_cast %broadcast_in_dim3A_54 : vector<16xf32> to vector<1x16xf32>
      tpu.vector_store %arg13[%swap3A_55, %swap3A_56], %swap3A_59 {strides = array<i32>} : memref<128x128xf32, #tpu.memory_space<vmem>>, vector<1x16xf32>,
      %broadcast_in_dim3A_60 = arith.constant 0.000000e+00 : f32
      %broadcast_in_dim3A_61 = vector.broadcast %broadcast_in_dim3A_60 : f32 to vector<16xf32>
      %swap3A_62 = arith.index_cast %scan3A_33 : i32 to index
      %swap3A_63 = arith.constant 64 : index
      %swap3A_64 = tpu.vector_load %arg13[%swap3A_62, %swap3A_63] {strides = array<i32>} : memref<128x128xf32, #tpu.memory_space<vmem>>, vector<1x16xf32>,
      %swap3A_65 = vector.shape_cast %swap3A_64 : vector<1x16xf32> to vector<16xf32>
      %swap3A_66 = vector.shape_cast %broadcast_in_dim3A_61 : vector<16xf32> to vector<1x16xf32>
      tpu.vector_store %arg13[%swap3A_62, %swap3A_63], %swap3A_66 {strides = array<i32>} : memref<128x128xf32, #tpu.memory_space<vmem>>, vector<1x16xf32>,
      %broadcast_in_dim3A_67 = arith.constant 0.000000e+00 : f32
      %broadcast_in_dim3A_68 = vector.broadcast %broadcast_in_dim3A_67 : f32 to vector<16xf32>
      %swap3A_69 = arith.index_cast %scan3A_33 : i32 to index
      %swap3A_70 = arith.constant 80 : index
      %swap3A_71 = tpu.vector_load %arg13[%swap3A_69, %swap3A_70] {strides = array<i32>} : memref<128x128xf32, #tpu.memory_space<vmem>>, vector<1x16xf32>,
      %swap3A_72 = vector.shape_cast %swap3A_71 : vector<1x16xf32> to vector<16xf32>
      %swap3A_73 = vector.shape_cast %broadcast_in_dim3A_68 : vector<16xf32> to vector<1x16xf32>
      tpu.vector_store %arg13[%swap3A_69, %swap3A_70], %swap3A_73 {strides = array<i32>} : memref<128x128xf32, #tpu.memory_space<vmem>>, vector<1x16xf32>,
      %broadcast_in_dim3A_74 = arith.constant 0.000000e+00 : f32
      %broadcast_in_dim3A_75 = vector.broadcast %broadcast_in_dim3A_74 : f32 to vector<16xf32>
      %swap3A_76 = arith.index_cast %scan3A_33 : i32 to index
      %swap3A_77 = arith.constant 96 : index
      %swap3A_78 = tpu.vector_load %arg13[%swap3A_76, %swap3A_77] {strides = array<i32>} : memref<128x128xf32, #tpu.memory_space<vmem>>, vector<1x16xf32>,
      %swap3A_79 = vector.shape_cast %swap3A_78 : vector<1x16xf32> to vector<16xf32>
      %swap3A_80 = vector.shape_cast %broadcast_in_dim3A_75 : vector<16xf32> to vector<1x16xf32>
      tpu.vector_store %arg13[%swap3A_76, %swap3A_77], %swap3A_80 {strides = array<i32>} : memref<128x128xf32, #tpu.memory_space<vmem>>, vector<1x16xf32>,
      %broadcast_in_dim3A_81 = arith.constant 0.000000e+00 : f32
      %broadcast_in_dim3A_82 = vector.broadcast %broadcast_in_dim3A_81 : f32 to vector<16xf32>
      %swap3A_83 = arith.index_cast %scan3A_33 : i32 to index
      %swap3A_84 = arith.constant 112 : index
      %swap3A_85 = tpu.vector_load %arg13[%swap3A_83, %swap3A_84] {strides = array<i32>} : memref<128x128xf32, #tpu.memory_space<vmem>>, vector<1x16xf32>,
      %swap3A_86 = vector.shape_cast %swap3A_85 : vector<1x16xf32> to vector<16xf32>
      %swap3A_87 = vector.shape_cast %broadcast_in_dim3A_82 : vector<16xf32> to vector<1x16xf32>
      tpu.vector_store %arg13[%swap3A_83, %swap3A_84], %swap3A_87 {strides = array<i32>} : memref<128x128xf32, #tpu.memory_space<vmem>>, vector<1x16xf32>,
    }
    %scan3A_9 = arith.constant 128 : i32
    %scan3A_10 = arith.constant 0 : i32
    %scan3A_11 = arith.constant 0 : i32
    %scan3A_12 = arith.constant 80 : i32
    %scan3A_13 = arith.addi %scan3A_11, %scan3A_12 : i32
    %scan3A_14 = arith.constant 1 : i32
    scf.for %scan3A_33 = %scan3A_11 to %scan3A_13 step %scan3A_14  : i32 {
      %broadcast_in_dim3A = arith.constant 1.000000e+00 : f32
      %broadcast_in_dim3A_34 = vector.broadcast %broadcast_in_dim3A : f32 to vector<16xf32>
      %swap3A = arith.index_cast %scan3A_33 : i32 to index
      %swap3A_35 = arith.constant 0 : index
      %swap3A_36 = tpu.vector_load %arg12[%swap3A, %swap3A_35] {strides = array<i32>} : memref<80x128xf32, #tpu.memory_space<vmem>>, vector<1x16xf32>,
      %swap3A_37 = vector.shape_cast %swap3A_36 : vector<1x16xf32> to vector<16xf32>
      %swap3A_38 = vector.shape_cast %broadcast_in_dim3A_34 : vector<16xf32> to vector<1x16xf32>
      tpu.vector_store %arg12[%swap3A, %swap3A_35], %swap3A_38 {strides = array<i32>} : memref<80x128xf32, #tpu.memory_space<vmem>>, vector<1x16xf32>,
      %broadcast_in_dim3A_39 = arith.constant 1.000000e+00 : f32
      %broadcast_in_dim3A_40 = vector.broadcast %broadcast_in_dim3A_39 : f32 to vector<16xf32>
      %swap3A_41 = arith.index_cast %scan3A_33 : i32 to index
      %swap3A_42 = arith.constant 16 : index
      %swap3A_43 = tpu.vector_load %arg12[%swap3A_41, %swap3A_42] {strides = array<i32>} : memref<80x128xf32, #tpu.memory_space<vmem>>, vector<1x16xf32>,
      %swap3A_44 = vector.shape_cast %swap3A_43 : vector<1x16xf32> to vector<16xf32>
      %swap3A_45 = vector.shape_cast %broadcast_in_dim3A_40 : vector<16xf32> to vector<1x16xf32>
      tpu.vector_store %arg12[%swap3A_41, %swap3A_42], %swap3A_45 {strides = array<i32>} : memref<80x128xf32, #tpu.memory_space<vmem>>, vector<1x16xf32>,
      %broadcast_in_dim3A_46 = arith.constant 1.000000e+00 : f32
      %broadcast_in_dim3A_47 = vector.broadcast %broadcast_in_dim3A_46 : f32 to vector<16xf32>
      %swap3A_48 = arith.index_cast %scan3A_33 : i32 to index
      %swap3A_49 = arith.constant 32 : index
      %swap3A_50 = tpu.vector_load %arg12[%swap3A_48, %swap3A_49] {strides = array<i32>} : memref<80x128xf32, #tpu.memory_space<vmem>>, vector<1x16xf32>,
      %swap3A_51 = vector.shape_cast %swap3A_50 : vector<1x16xf32> to vector<16xf32>
      %swap3A_52 = vector.shape_cast %broadcast_in_dim3A_47 : vector<16xf32> to vector<1x16xf32>
      tpu.vector_store %arg12[%swap3A_48, %swap3A_49], %swap3A_52 {strides = array<i32>} : memref<80x128xf32, #tpu.memory_space<vmem>>, vector<1x16xf32>,
      %broadcast_in_dim3A_53 = arith.constant 1.000000e+00 : f32
      %broadcast_in_dim3A_54 = vector.broadcast %broadcast_in_dim3A_53 : f32 to vector<16xf32>
      %swap3A_55 = arith.index_cast %scan3A_33 : i32 to index
      %swap3A_56 = arith.constant 48 : index
      %swap3A_57 = tpu.vector_load %arg12[%swap3A_55, %swap3A_56] {strides = array<i32>} : memref<80x128xf32, #tpu.memory_space<vmem>>, vector<1x16xf32>,
      %swap3A_58 = vector.shape_cast %swap3A_57 : vector<1x16xf32> to vector<16xf32>
      %swap3A_59 = vector.shape_cast %broadcast_in_dim3A_54 : vector<16xf32> to vector<1x16xf32>
      tpu.vector_store %arg12[%swap3A_55, %swap3A_56], %swap3A_59 {strides = array<i32>} : memref<80x128xf32, #tpu.memory_space<vmem>>, vector<1x16xf32>,
      %broadcast_in_dim3A_60 = arith.constant 1.000000e+00 : f32
      %broadcast_in_dim3A_61 = vector.broadcast %broadcast_in_dim3A_60 : f32 to vector<16xf32>
      %swap3A_62 = arith.index_cast %scan3A_33 : i32 to index
      %swap3A_63 = arith.constant 64 : index
      %swap3A_64 = tpu.vector_load %arg12[%swap3A_62, %swap3A_63] {strides = array<i32>} : memref<80x128xf32, #tpu.memory_space<vmem>>, vector<1x16xf32>,
      %swap3A_65 = vector.shape_cast %swap3A_64 : vector<1x16xf32> to vector<16xf32>
      %swap3A_66 = vector.shape_cast %broadcast_in_dim3A_61 : vector<16xf32> to vector<1x16xf32>
      tpu.vector_store %arg12[%swap3A_62, %swap3A_63], %swap3A_66 {strides = array<i32>} : memref<80x128xf32, #tpu.memory_space<vmem>>, vector<1x16xf32>,
      %broadcast_in_dim3A_67 = arith.constant 1.000000e+00 : f32
      %broadcast_in_dim3A_68 = vector.broadcast %broadcast_in_dim3A_67 : f32 to vector<16xf32>
      %swap3A_69 = arith.index_cast %scan3A_33 : i32 to index
      %swap3A_70 = arith.constant 80 : index
      %swap3A_71 = tpu.vector_load %arg12[%swap3A_69, %swap3A_70] {strides = array<i32>} : memref<80x128xf32, #tpu.memory_space<vmem>>, vector<1x16xf32>,
      %swap3A_72 = vector.shape_cast %swap3A_71 : vector<1x16xf32> to vector<16xf32>
      %swap3A_73 = vector.shape_cast %broadcast_in_dim3A_68 : vector<16xf32> to vector<1x16xf32>
      tpu.vector_store %arg12[%swap3A_69, %swap3A_70], %swap3A_73 {strides = array<i32>} : memref<80x128xf32, #tpu.memory_space<vmem>>, vector<1x16xf32>,
      %broadcast_in_dim3A_74 = arith.constant 1.000000e+00 : f32
      %broadcast_in_dim3A_75 = vector.broadcast %broadcast_in_dim3A_74 : f32 to vector<16xf32>
      %swap3A_76 = arith.index_cast %scan3A_33 : i32 to index
      %swap3A_77 = arith.constant 96 : index
      %swap3A_78 = tpu.vector_load %arg12[%swap3A_76, %swap3A_77] {strides = array<i32>} : memref<80x128xf32, #tpu.memory_space<vmem>>, vector<1x16xf32>,
      %swap3A_79 = vector.shape_cast %swap3A_78 : vector<1x16xf32> to vector<16xf32>
      %swap3A_80 = vector.shape_cast %broadcast_in_dim3A_75 : vector<16xf32> to vector<1x16xf32>
      tpu.vector_store %arg12[%swap3A_76, %swap3A_77], %swap3A_80 {strides = array<i32>} : memref<80x128xf32, #tpu.memory_space<vmem>>, vector<1x16xf32>,
      %broadcast_in_dim3A_81 = arith.constant 1.000000e+00 : f32
      %broadcast_in_dim3A_82 = vector.broadcast %broadcast_in_dim3A_81 : f32 to vector<16xf32>
      %swap3A_83 = arith.index_cast %scan3A_33 : i32 to index
      %swap3A_84 = arith.constant 112 : index
      %swap3A_85 = tpu.vector_load %arg12[%swap3A_83, %swap3A_84] {strides = array<i32>} : memref<80x128xf32, #tpu.memory_space<vmem>>, vector<1x16xf32>,
      %swap3A_86 = vector.shape_cast %swap3A_85 : vector<1x16xf32> to vector<16xf32>
      %swap3A_87 = vector.shape_cast %broadcast_in_dim3A_82 : vector<16xf32> to vector<1x16xf32>
      tpu.vector_store %arg12[%swap3A_83, %swap3A_84], %swap3A_87 {strides = array<i32>} : memref<80x128xf32, #tpu.memory_space<vmem>>, vector<1x16xf32>,
    }
    %scan3A_15 = arith.constant 80 : i32
    %add3A_16 = arith.constant 0 : i32
    %add3A_17 = arith.addi %mul3A_4, %add3A_16 : i32
    "tpu.region"() ({
      %run_scoped3A = tpu.sem_alloc : memref<!tpu.dma_semaphore, #tpu.memory_space<semaphore_mem>>
      %dma_start3A = arith.constant 0 : i32
      %dma_start3A_33 = tpu.memref_slice %arg14[%add3A_17, %dma_start3A] : memref<10240x128xf32, #tpu.memory_space<vmem_shared>> -> memref<128x128xf32, #tpu.memory_space<vmem_shared>>
      %dma_start3A_34 = arith.constant 0 : i32
      %dma_start3A_35 = tpu.memref_slice %arg14[%add3A_17, %dma_start3A_34] : memref<10240x128xf32, #tpu.memory_space<vmem_shared>> -> memref<128x128xf32, #tpu.memory_space<vmem_shared>>
      tpu.enqueue_dma source(%arg13 : memref<128x128xf32, #tpu.memory_space<vmem>>) target(%dma_start3A_35 : memref<128x128xf32, #tpu.memory_space<vmem_shared>>) target_semaphore(%run_scoped3A : memref<!tpu.dma_semaphore, #tpu.memory_space<semaphore_mem>>)
      %dma_wait3A = arith.constant 0 : i32
      %dma_wait3A_36 = tpu.memref_slice %arg14[%add3A_17, %dma_wait3A] : memref<10240x128xf32, #tpu.memory_space<vmem_shared>> -> memref<128x128xf32, #tpu.memory_space<vmem_shared>>
      %dma_wait3A_37 = arith.constant 0 : i32
      %dma_wait3A_38 = tpu.memref_slice %arg14[%add3A_17, %dma_wait3A_37] : memref<10240x128xf32, #tpu.memory_space<vmem_shared>> -> memref<128x128xf32, #tpu.memory_space<vmem_shared>>
      tpu.wait_dma2 semaphore(%run_scoped3A : memref<!tpu.dma_semaphore, #tpu.memory_space<semaphore_mem>>) src(%arg13 : memref<128x128xf32, #tpu.memory_space<vmem>>) dst(%dma_wait3A_38 : memref<128x128xf32, #tpu.memory_space<vmem_shared>>)
      tpu.yield
    }) : () -> ()
    %add3A_18 = arith.constant 128 : i32
    %add3A_19 = arith.addi %mul3A_4, %add3A_18 : i32
    "tpu.region"() ({
      %run_scoped3A = tpu.sem_alloc : memref<!tpu.dma_semaphore, #tpu.memory_space<semaphore_mem>>
      %dma_start3A = arith.constant 0 : i32
      %dma_start3A_33 = tpu.memref_slice %arg14[%add3A_19, %dma_start3A] : memref<10240x128xf32, #tpu.memory_space<vmem_shared>> -> memref<128x128xf32, #tpu.memory_space<vmem_shared>>
      %dma_start3A_34 = arith.constant 0 : i32
      %dma_start3A_35 = tpu.memref_slice %arg14[%add3A_19, %dma_start3A_34] : memref<10240x128xf32, #tpu.memory_space<vmem_shared>> -> memref<128x128xf32, #tpu.memory_space<vmem_shared>>
      tpu.enqueue_dma source(%arg13 : memref<128x128xf32, #tpu.memory_space<vmem>>) target(%dma_start3A_35 : memref<128x128xf32, #tpu.memory_space<vmem_shared>>) target_semaphore(%run_scoped3A : memref<!tpu.dma_semaphore, #tpu.memory_space<semaphore_mem>>)
      %dma_wait3A = arith.constant 0 : i32
      %dma_wait3A_36 = tpu.memref_slice %arg14[%add3A_19, %dma_wait3A] : memref<10240x128xf32, #tpu.memory_space<vmem_shared>> -> memref<128x128xf32, #tpu.memory_space<vmem_shared>>
      %dma_wait3A_37 = arith.constant 0 : i32
      %dma_wait3A_38 = tpu.memref_slice %arg14[%add3A_19, %dma_wait3A_37] : memref<10240x128xf32, #tpu.memory_space<vmem_shared>> -> memref<128x128xf32, #tpu.memory_space<vmem_shared>>
      tpu.wait_dma2 semaphore(%run_scoped3A : memref<!tpu.dma_semaphore, #tpu.memory_space<semaphore_mem>>) src(%arg13 : memref<128x128xf32, #tpu.memory_space<vmem>>) dst(%dma_wait3A_38 : memref<128x128xf32, #tpu.memory_space<vmem_shared>>)
      tpu.yield
    }) : () -> ()
    %add3A_20 = arith.constant 256 : i32
    %add3A_21 = arith.addi %mul3A_4, %add3A_20 : i32
    "tpu.region"() ({
      %run_scoped3A = tpu.sem_alloc : memref<!tpu.dma_semaphore, #tpu.memory_space<semaphore_mem>>
      %dma_start3A = arith.constant 0 : i32
      %dma_start3A_33 = tpu.memref_slice %arg14[%add3A_21, %dma_start3A] : memref<10240x128xf32, #tpu.memory_space<vmem_shared>> -> memref<128x128xf32, #tpu.memory_space<vmem_shared>>
      %dma_start3A_34 = arith.constant 0 : i32
      %dma_start3A_35 = tpu.memref_slice %arg14[%add3A_21, %dma_start3A_34] : memref<10240x128xf32, #tpu.memory_space<vmem_shared>> -> memref<128x128xf32, #tpu.memory_space<vmem_shared>>
      tpu.enqueue_dma source(%arg13 : memref<128x128xf32, #tpu.memory_space<vmem>>) target(%dma_start3A_35 : memref<128x128xf32, #tpu.memory_space<vmem_shared>>) target_semaphore(%run_scoped3A : memref<!tpu.dma_semaphore, #tpu.memory_space<semaphore_mem>>)
      %dma_wait3A = arith.constant 0 : i32
      %dma_wait3A_36 = tpu.memref_slice %arg14[%add3A_21, %dma_wait3A] : memref<10240x128xf32, #tpu.memory_space<vmem_shared>> -> memref<128x128xf32, #tpu.memory_space<vmem_shared>>
      %dma_wait3A_37 = arith.constant 0 : i32
      %dma_wait3A_38 = tpu.memref_slice %arg14[%add3A_21, %dma_wait3A_37] : memref<10240x128xf32, #tpu.memory_space<vmem_shared>> -> memref<128x128xf32, #tpu.memory_space<vmem_shared>>
      tpu.wait_dma2 semaphore(%run_scoped3A : memref<!tpu.dma_semaphore, #tpu.memory_space<semaphore_mem>>) src(%arg13 : memref<128x128xf32, #tpu.memory_space<vmem>>) dst(%dma_wait3A_38 : memref<128x128xf32, #tpu.memory_space<vmem_shared>>)
      tpu.yield
    }) : () -> ()
    %add3A_22 = arith.constant 384 : i32
    %add3A_23 = arith.addi %mul3A_4, %add3A_22 : i32
    "tpu.region"() ({
      %run_scoped3A = tpu.sem_alloc : memref<!tpu.dma_semaphore, #tpu.memory_space<semaphore_mem>>
      %dma_start3A = arith.constant 0 : i32
      %dma_start3A_33 = tpu.memref_slice %arg14[%add3A_23, %dma_start3A] : memref<10240x128xf32, #tpu.memory_space<vmem_shared>> -> memref<128x128xf32, #tpu.memory_space<vmem_shared>>
      %dma_start3A_34 = arith.constant 0 : i32
      %dma_start3A_35 = tpu.memref_slice %arg14[%add3A_23, %dma_start3A_34] : memref<10240x128xf32, #tpu.memory_space<vmem_shared>> -> memref<128x128xf32, #tpu.memory_space<vmem_shared>>
      tpu.enqueue_dma source(%arg13 : memref<128x128xf32, #tpu.memory_space<vmem>>) target(%dma_start3A_35 : memref<128x128xf32, #tpu.memory_space<vmem_shared>>) target_semaphore(%run_scoped3A : memref<!tpu.dma_semaphore, #tpu.memory_space<semaphore_mem>>)
      %dma_wait3A = arith.constant 0 : i32
      %dma_wait3A_36 = tpu.memref_slice %arg14[%add3A_23, %dma_wait3A] : memref<10240x128xf32, #tpu.memory_space<vmem_shared>> -> memref<128x128xf32, #tpu.memory_space<vmem_shared>>
      %dma_wait3A_37 = arith.constant 0 : i32
      %dma_wait3A_38 = tpu.memref_slice %arg14[%add3A_23, %dma_wait3A_37] : memref<10240x128xf32, #tpu.memory_space<vmem_shared>> -> memref<128x128xf32, #tpu.memory_space<vmem_shared>>
      tpu.wait_dma2 semaphore(%run_scoped3A : memref<!tpu.dma_semaphore, #tpu.memory_space<semaphore_mem>>) src(%arg13 : memref<128x128xf32, #tpu.memory_space<vmem>>) dst(%dma_wait3A_38 : memref<128x128xf32, #tpu.memory_space<vmem_shared>>)
      tpu.yield
    }) : () -> ()
    %add3A_24 = arith.constant 512 : i32
    %add3A_25 = arith.addi %mul3A_4, %add3A_24 : i32
    "tpu.region"() ({
      %run_scoped3A = tpu.sem_alloc : memref<!tpu.dma_semaphore, #tpu.memory_space<semaphore_mem>>
      %dma_start3A = arith.constant 0 : i32
      %dma_start3A_33 = tpu.memref_slice %arg14[%add3A_25, %dma_start3A] : memref<10240x128xf32, #tpu.memory_space<vmem_shared>> -> memref<128x128xf32, #tpu.memory_space<vmem_shared>>
      %dma_start3A_34 = arith.constant 0 : i32
      %dma_start3A_35 = tpu.memref_slice %arg14[%add3A_25, %dma_start3A_34] : memref<10240x128xf32, #tpu.memory_space<vmem_shared>> -> memref<128x128xf32, #tpu.memory_space<vmem_shared>>
      tpu.enqueue_dma source(%arg13 : memref<128x128xf32, #tpu.memory_space<vmem>>) target(%dma_start3A_35 : memref<128x128xf32, #tpu.memory_space<vmem_shared>>) target_semaphore(%run_scoped3A : memref<!tpu.dma_semaphore, #tpu.memory_space<semaphore_mem>>)
      %dma_wait3A = arith.constant 0 : i32
      %dma_wait3A_36 = tpu.memref_slice %arg14[%add3A_25, %dma_wait3A] : memref<10240x128xf32, #tpu.memory_space<vmem_shared>> -> memref<128x128xf32, #tpu.memory_space<vmem_shared>>
      %dma_wait3A_37 = arith.constant 0 : i32
      %dma_wait3A_38 = tpu.memref_slice %arg14[%add3A_25, %dma_wait3A_37] : memref<10240x128xf32, #tpu.memory_space<vmem_shared>> -> memref<128x128xf32, #tpu.memory_space<vmem_shared>>
      tpu.wait_dma2 semaphore(%run_scoped3A : memref<!tpu.dma_semaphore, #tpu.memory_space<semaphore_mem>>) src(%arg13 : memref<128x128xf32, #tpu.memory_space<vmem>>) dst(%dma_wait3A_38 : memref<128x128xf32, #tpu.memory_space<vmem_shared>>)
      tpu.yield
    }) : () -> ()
    %barrier3A = arith.constant 0 : index
    tpu.barrier barrier_id(%barrier3A)
    %scan3A_26 = arith.constant 0 : i32
    %scan3A_27 = arith.constant 0 : i32
    %scan3A_28 = arith.constant 125 : i32
    %scan3A_29 = arith.addi %scan3A_27, %scan3A_28 : i32
    %scan3A_30 = arith.constant 1 : i32
    scf.for %scan3A_33 = %scan3A_27 to %scan3A_29 step %scan3A_30  : i32 {
      %mul3A_34 = arith.constant 80 : i32
      %mul3A_35 = arith.muli %scan3A_33, %mul3A_34 : i32
      %add3A_36 = arith.addi %mul3A_2, %mul3A_35 : i32
      "tpu.region"() ({
        %run_scoped3A = tpu.sem_alloc : memref<!tpu.dma_semaphore, #tpu.memory_space<semaphore_mem>>
        %dma_start3A_47 = tpu.memref_slice %arg3[%add3A_36] : memref<320000xi32, #tpu.memory_space<hbm>> -> memref<80xi32, #tpu.memory_space<hbm>>
        %dma_start3A_48 = tpu.memref_slice %arg3[%add3A_36] : memref<320000xi32, #tpu.memory_space<hbm>> -> memref<80xi32, #tpu.memory_space<hbm>>
        tpu.enqueue_dma source(%dma_start3A_48 : memref<80xi32, #tpu.memory_space<hbm>>) target(%arg8 : memref<80xi32, #tpu.memory_space<vmem>>) target_semaphore(%run_scoped3A : memref<!tpu.dma_semaphore, #tpu.memory_space<semaphore_mem>>)
        %dma_wait3A_49 = tpu.memref_slice %arg3[%add3A_36] : memref<320000xi32, #tpu.memory_space<hbm>> -> memref<80xi32, #tpu.memory_space<hbm>>
        %dma_wait3A_50 = tpu.memref_slice %arg3[%add3A_36] : memref<320000xi32, #tpu.memory_space<hbm>> -> memref<80xi32, #tpu.memory_space<hbm>>
        tpu.wait_dma2 semaphore(%run_scoped3A : memref<!tpu.dma_semaphore, #tpu.memory_space<semaphore_mem>>) src(%dma_wait3A_50 : memref<80xi32, #tpu.memory_space<hbm>>) dst(%arg8 : memref<80xi32, #tpu.memory_space<vmem>>)
        tpu.yield
      }) : () -> ()
      "tpu.region"() ({
        %run_scoped3A = tpu.sem_alloc : memref<!tpu.dma_semaphore, #tpu.memory_space<semaphore_mem>>
        %dma_start3A_47 = tpu.memref_slice %arg4[%add3A_36] : memref<320000xi32, #tpu.memory_space<hbm>> -> memref<80xi32, #tpu.memory_space<hbm>>
        %dma_start3A_48 = tpu.memref_slice %arg4[%add3A_36] : memref<320000xi32, #tpu.memory_space<hbm>> -> memref<80xi32, #tpu.memory_space<hbm>>
        tpu.enqueue_dma source(%dma_start3A_48 : memref<80xi32, #tpu.memory_space<hbm>>) target(%arg9 : memref<80xi32, #tpu.memory_space<vmem>>) target_semaphore(%run_scoped3A : memref<!tpu.dma_semaphore, #tpu.memory_space<semaphore_mem>>)
        %dma_wait3A_49 = tpu.memref_slice %arg4[%add3A_36] : memref<320000xi32, #tpu.memory_space<hbm>> -> memref<80xi32, #tpu.memory_space<hbm>>
        %dma_wait3A_50 = tpu.memref_slice %arg4[%add3A_36] : memref<320000xi32, #tpu.memory_space<hbm>> -> memref<80xi32, #tpu.memory_space<hbm>>
        tpu.wait_dma2 semaphore(%run_scoped3A : memref<!tpu.dma_semaphore, #tpu.memory_space<semaphore_mem>>) src(%dma_wait3A_50 : memref<80xi32, #tpu.memory_space<hbm>>) dst(%arg9 : memref<80xi32, #tpu.memory_space<vmem>>)
        tpu.yield
      }) : () -> ()
      %dma_start3A = arith.constant 0 : i32
      %dma_start3A_37 = arith.constant 0 : i32
      %dma_start3A_38 = tpu.memref_slice %arg2[%dma_start3A, %dma_start3A_37] : memref<10000x128xf32, #tpu.memory_space<hbm>> -> memref<10000x128xf32, #tpu.memory_space<hbm>>
      tpu.enqueue_indirect_dma source(%dma_start3A_38 : memref<10000x128xf32, #tpu.memory_space<hbm>>) target(%arg10 : memref<80x128xf32, #tpu.memory_space<vmem>>) offsets(%arg8 : memref<80xi32, #tpu.memory_space<vmem>>) semaphore(%arg15 : memref<!tpu.dma_semaphore, #tpu.memory_space<semaphore_mem>>)
      %dma_start3A_39 = arith.constant 0 : i32
      %dma_start3A_40 = arith.constant 0 : i32
      %dma_start3A_41 = tpu.memref_slice %arg2[%dma_start3A_39, %dma_start3A_40] : memref<10000x128xf32, #tpu.memory_space<hbm>> -> memref<10000x128xf32, #tpu.memory_space<hbm>>
      tpu.enqueue_indirect_dma source(%dma_start3A_41 : memref<10000x128xf32, #tpu.memory_space<hbm>>) target(%arg11 : memref<80x128xf32, #tpu.memory_space<vmem>>) offsets(%arg9 : memref<80xi32, #tpu.memory_space<vmem>>) semaphore(%arg16 : memref<!tpu.dma_semaphore, #tpu.memory_space<semaphore_mem>>)
      %dma_wait3A = arith.constant 0 : i32
      %dma_wait3A_42 = arith.constant 0 : i32
      %dma_wait3A_43 = tpu.memref_slice %arg2[%dma_wait3A, %dma_wait3A_42] : memref<10000x128xf32, #tpu.memory_space<hbm>> -> memref<10000x128xf32, #tpu.memory_space<hbm>>
      tpu.wait_indirect_dma semaphore(%arg15 : memref<!tpu.dma_semaphore, #tpu.memory_space<semaphore_mem>>) src(%dma_wait3A_43 : memref<10000x128xf32, #tpu.memory_space<hbm>>) dst(%arg10 : memref<80x128xf32, #tpu.memory_space<vmem>>)
      %dma_wait3A_44 = arith.constant 0 : i32
      %dma_wait3A_45 = arith.constant 0 : i32
      %dma_wait3A_46 = tpu.memref_slice %arg2[%dma_wait3A_44, %dma_wait3A_45] : memref<10000x128xf32, #tpu.memory_space<hbm>> -> memref<10000x128xf32, #tpu.memory_space<hbm>>
      tpu.wait_indirect_dma semaphore(%arg16 : memref<!tpu.dma_semaphore, #tpu.memory_space<semaphore_mem>>) src(%dma_wait3A_46 : memref<10000x128xf32, #tpu.memory_space<hbm>>) dst(%arg11 : memref<80x128xf32, #tpu.memory_space<vmem>>)
      "tpu.region"() ({
        %run_scoped3A = tpu.sem_alloc : memref<!tpu.dma_semaphore, #tpu.memory_space<semaphore_mem>>
        %dma_start3A_47 = arith.constant 0 : i32
        %dma_start3A_48 = tpu.memref_slice %arg5[%add3A_36, %dma_start3A_47] : memref<320000x128xf32, #tpu.memory_space<hbm>> -> memref<80x128xf32, #tpu.memory_space<hbm>>
        %dma_start3A_49 = arith.constant 0 : i32
        %dma_start3A_50 = tpu.memref_slice %arg5[%add3A_36, %dma_start3A_49] : memref<320000x128xf32, #tpu.memory_space<hbm>> -> memref<80x128xf32, #tpu.memory_space<hbm>>
        tpu.enqueue_dma source(%arg10 : memref<80x128xf32, #tpu.memory_space<vmem>>) target(%dma_start3A_50 : memref<80x128xf32, #tpu.memory_space<hbm>>) target_semaphore(%run_scoped3A : memref<!tpu.dma_semaphore, #tpu.memory_space<semaphore_mem>>)
        %dma_wait3A_51 = arith.constant 0 : i32
        %dma_wait3A_52 = tpu.memref_slice %arg5[%add3A_36, %dma_wait3A_51] : memref<320000x128xf32, #tpu.memory_space<hbm>> -> memref<80x128xf32, #tpu.memory_space<hbm>>
        %dma_wait3A_53 = arith.constant 0 : i32
        %dma_wait3A_54 = tpu.memref_slice %arg5[%add3A_36, %dma_wait3A_53] : memref<320000x128xf32, #tpu.memory_space<hbm>> -> memref<80x128xf32, #tpu.memory_space<hbm>>
        tpu.wait_dma2 semaphore(%run_scoped3A : memref<!tpu.dma_semaphore, #tpu.memory_space<semaphore_mem>>) src(%arg10 : memref<80x128xf32, #tpu.memory_space<vmem>>) dst(%dma_wait3A_54 : memref<80x128xf32, #tpu.memory_space<hbm>>)
        tpu.yield
      }) : () -> ()
      "tpu.region"() ({
        %run_scoped3A = tpu.sem_alloc : memref<!tpu.dma_semaphore, #tpu.memory_space<semaphore_mem>>
        %dma_start3A_47 = arith.constant 0 : i32
        %dma_start3A_48 = tpu.memref_slice %arg6[%add3A_36, %dma_start3A_47] : memref<320000x128xf32, #tpu.memory_space<hbm>> -> memref<80x128xf32, #tpu.memory_space<hbm>>
        %dma_start3A_49 = arith.constant 0 : i32
        %dma_start3A_50 = tpu.memref_slice %arg6[%add3A_36, %dma_start3A_49] : memref<320000x128xf32, #tpu.memory_space<hbm>> -> memref<80x128xf32, #tpu.memory_space<hbm>>
        tpu.enqueue_dma source(%arg11 : memref<80x128xf32, #tpu.memory_space<vmem>>) target(%dma_start3A_50 : memref<80x128xf32, #tpu.memory_space<hbm>>) target_semaphore(%run_scoped3A : memref<!tpu.dma_semaphore, #tpu.memory_space<semaphore_mem>>)
        %dma_wait3A_51 = arith.constant 0 : i32
        %dma_wait3A_52 = tpu.memref_slice %arg6[%add3A_36, %dma_wait3A_51] : memref<320000x128xf32, #tpu.memory_space<hbm>> -> memref<80x128xf32, #tpu.memory_space<hbm>>
        %dma_wait3A_53 = arith.constant 0 : i32
        %dma_wait3A_54 = tpu.memref_slice %arg6[%add3A_36, %dma_wait3A_53] : memref<320000x128xf32, #tpu.memory_space<hbm>> -> memref<80x128xf32, #tpu.memory_space<hbm>>
        tpu.wait_dma2 semaphore(%run_scoped3A : memref<!tpu.dma_semaphore, #tpu.memory_space<semaphore_mem>>) src(%arg11 : memref<80x128xf32, #tpu.memory_space<vmem>>) dst(%dma_wait3A_54 : memref<80x128xf32, #tpu.memory_space<hbm>>)
        tpu.yield
      }) : () -> ()
      "tpu.region"() ({
        %run_scoped3A = tpu.sem_alloc : memref<!tpu.dma_semaphore, #tpu.memory_space<semaphore_mem>>
        %dma_start3A_47 = arith.constant 0 : i32
        %dma_start3A_48 = arith.constant 0 : i32
        %dma_start3A_49 = tpu.memref_slice %arg14[%dma_start3A_47, %dma_start3A_48] : memref<10240x128xf32, #tpu.memory_space<vmem_shared>> -> memref<10240x128xf32, #tpu.memory_space<vmem_shared>>
        tpu.enqueue_indirect_dma source(%arg12 : memref<80x128xf32, #tpu.memory_space<vmem>>) target(%dma_start3A_49 : memref<10240x128xf32, #tpu.memory_space<vmem_shared>>) offsets(%arg9 : memref<80xi32, #tpu.memory_space<vmem>>) semaphore(%run_scoped3A : memref<!tpu.dma_semaphore, #tpu.memory_space<semaphore_mem>>) {add = true}
        %dma_wait3A_50 = arith.constant 0 : i32
        %dma_wait3A_51 = arith.constant 0 : i32
        %dma_wait3A_52 = tpu.memref_slice %arg14[%dma_wait3A_50, %dma_wait3A_51] : memref<10240x128xf32, #tpu.memory_space<vmem_shared>> -> memref<10240x128xf32, #tpu.memory_space<vmem_shared>>
        tpu.wait_indirect_dma semaphore(%run_scoped3A : memref<!tpu.dma_semaphore, #tpu.memory_space<semaphore_mem>>) src(%arg12 : memref<80x128xf32, #tpu.memory_space<vmem>>) dst(%dma_wait3A_52 : memref<10240x128xf32, #tpu.memory_space<vmem_shared>>)
        tpu.yield
      }) : () -> ()
    }
    %scan3A_31 = arith.constant 125 : i32
    %barrier3A_32 = arith.constant 0 : index
    tpu.barrier barrier_id(%barrier3A_32)
    "tpu.region"() ({
      %run_scoped3A = tpu.sem_alloc : memref<!tpu.dma_semaphore, #tpu.memory_space<semaphore_mem>>
      %dma_start3A = arith.constant 0 : i32
      %dma_start3A_33 = tpu.memref_slice %arg7[%arg0, %mul3A_4, %dma_start3A] : memref<2x10240x128xf32, #tpu.memory_space<hbm>> -> memref<1x640x128xf32, #tpu.memory_space<hbm>>
      %dma_start3A_34 = tpu.memref_squeeze %dma_start3A_33 : memref<1x640x128xf32, #tpu.memory_space<hbm>> -> memref<640x128xf32, #tpu.memory_space<hbm>>
      %dma_start3A_35 = arith.constant 0 : i32
      %dma_start3A_36 = tpu.memref_slice %arg14[%mul3A_4, %dma_start3A_35] : memref<10240x128xf32, #tpu.memory_space<vmem_shared>> -> memref<640x128xf32, #tpu.memory_space<vmem_shared>>
      tpu.enqueue_dma source(%dma_start3A_36 : memref<640x128xf32, #tpu.memory_space<vmem_shared>>) target(%dma_start3A_34 : memref<640x128xf32, #tpu.memory_space<hbm>>) target_semaphore(%run_scoped3A : memref<!tpu.dma_semaphore, #tpu.memory_space<semaphore_mem>>)
      %dma_wait3A = arith.constant 0 : i32
      %dma_wait3A_37 = tpu.memref_slice %arg7[%arg0, %mul3A_4, %dma_wait3A] : memref<2x10240x128xf32, #tpu.memory_space<hbm>> -> memref<1x640x128xf32, #tpu.memory_space<hbm>>
      %dma_wait3A_38 = tpu.memref_squeeze %dma_wait3A_37 : memref<1x640x128xf32, #tpu.memory_space<hbm>> -> memref<640x128xf32, #tpu.memory_space<hbm>>
      %dma_wait3A_39 = arith.constant 0 : i32
      %dma_wait3A_40 = tpu.memref_slice %arg14[%mul3A_4, %dma_wait3A_39] : memref<10240x128xf32, #tpu.memory_space<vmem_shared>> -> memref<640x128xf32, #tpu.memory_space<vmem_shared>>
      tpu.wait_dma2 semaphore(%run_scoped3A : memref<!tpu.dma_semaphore, #tpu.memory_space<semaphore_mem>>) src(%dma_wait3A_40 : memref<640x128xf32, #tpu.memory_space<vmem_shared>>) dst(%dma_wait3A_38 : memref<640x128xf32, #tpu.memory_space<hbm>>)
      tpu.yield
    }) : () -> ()
    return
  }
}

#map = affine_map<(d0, d1) -> (0, 0)>
#map1 = affine_map<(d0, d1) -> (0)>
#map2 = affine_map<(d0, d1) -> (0, 0, 0)>
module attributes {stable_mosaic.version = 14 : i64} {
  func.func @_scatter_kernel(%arg0: i32, %arg1: i32, %arg2: memref<320000x128xf32, #tpu.memory_space<hbm>>, %arg3: memref<320000xi32, #tpu.memory_space<hbm>>, %arg4: memref<2x10240x128xf32, #tpu.memory_space<hbm>>, %arg5: memref<80xi32, #tpu.memory_space<vmem>>, %arg6: memref<80x128xf32, #tpu.memory_space<vmem>>, %arg7: memref<128x128xf32, #tpu.memory_space<vmem>>, %arg8: memref<10240x128xf32, #tpu.memory_space<vmem_shared>>, %arg9: memref<!tpu.dma_semaphore, #tpu.memory_space<semaphore_mem>>) attributes {dimension_semantics = [#tpu.dimension_semantics<core_parallel>, #tpu.dimension_semantics<subcore_parallel>], iteration_bounds = array<i64: 2, 16>, scalar_prefetch = 0 : i64, scratch_operands = 5 : i64, tpu.core_type = #tpu.core_type<sc_vector_subcore>, window_params = [{transform_indices = #map}, {transform_indices = #map1}, {transform_indices = #map2}]} {
    %mul3A = arith.constant 2 : i32
    %mul3A_0 = arith.muli %arg1, %mul3A : i32
    %add3A = arith.addi %mul3A_0, %arg0 : i32
    %mul3A_1 = arith.constant 10000 : i32
    %mul3A_2 = arith.muli %add3A, %mul3A_1 : i32
    %mul3A_3 = arith.constant 640 : i32
    %mul3A_4 = arith.muli %arg1, %mul3A_3 : i32
    %scan3A = arith.constant 0 : i32
    %scan3A_5 = arith.constant 0 : i32
    %scan3A_6 = arith.constant 128 : i32
    %scan3A_7 = arith.addi %scan3A_5, %scan3A_6 : i32
    %scan3A_8 = arith.constant 1 : i32
    scf.for %scan3A_27 = %scan3A_5 to %scan3A_7 step %scan3A_8  : i32 {
      %broadcast_in_dim3A = arith.constant 0.000000e+00 : f32
      %broadcast_in_dim3A_28 = vector.broadcast %broadcast_in_dim3A : f32 to vector<16xf32>
      %swap3A = arith.index_cast %scan3A_27 : i32 to index
      %swap3A_29 = arith.constant 0 : index
      %swap3A_30 = tpu.vector_load %arg7[%swap3A, %swap3A_29] {strides = array<i32>} : memref<128x128xf32, #tpu.memory_space<vmem>>, vector<1x16xf32>,
      %swap3A_31 = vector.shape_cast %swap3A_30 : vector<1x16xf32> to vector<16xf32>
      %swap3A_32 = vector.shape_cast %broadcast_in_dim3A_28 : vector<16xf32> to vector<1x16xf32>
      tpu.vector_store %arg7[%swap3A, %swap3A_29], %swap3A_32 {strides = array<i32>} : memref<128x128xf32, #tpu.memory_space<vmem>>, vector<1x16xf32>,
      %broadcast_in_dim3A_33 = arith.constant 0.000000e+00 : f32
      %broadcast_in_dim3A_34 = vector.broadcast %broadcast_in_dim3A_33 : f32 to vector<16xf32>
      %swap3A_35 = arith.index_cast %scan3A_27 : i32 to index
      %swap3A_36 = arith.constant 16 : index
      %swap3A_37 = tpu.vector_load %arg7[%swap3A_35, %swap3A_36] {strides = array<i32>} : memref<128x128xf32, #tpu.memory_space<vmem>>, vector<1x16xf32>,
      %swap3A_38 = vector.shape_cast %swap3A_37 : vector<1x16xf32> to vector<16xf32>
      %swap3A_39 = vector.shape_cast %broadcast_in_dim3A_34 : vector<16xf32> to vector<1x16xf32>
      tpu.vector_store %arg7[%swap3A_35, %swap3A_36], %swap3A_39 {strides = array<i32>} : memref<128x128xf32, #tpu.memory_space<vmem>>, vector<1x16xf32>,
      %broadcast_in_dim3A_40 = arith.constant 0.000000e+00 : f32
      %broadcast_in_dim3A_41 = vector.broadcast %broadcast_in_dim3A_40 : f32 to vector<16xf32>
      %swap3A_42 = arith.index_cast %scan3A_27 : i32 to index
      %swap3A_43 = arith.constant 32 : index
      %swap3A_44 = tpu.vector_load %arg7[%swap3A_42, %swap3A_43] {strides = array<i32>} : memref<128x128xf32, #tpu.memory_space<vmem>>, vector<1x16xf32>,
      %swap3A_45 = vector.shape_cast %swap3A_44 : vector<1x16xf32> to vector<16xf32>
      %swap3A_46 = vector.shape_cast %broadcast_in_dim3A_41 : vector<16xf32> to vector<1x16xf32>
      tpu.vector_store %arg7[%swap3A_42, %swap3A_43], %swap3A_46 {strides = array<i32>} : memref<128x128xf32, #tpu.memory_space<vmem>>, vector<1x16xf32>,
      %broadcast_in_dim3A_47 = arith.constant 0.000000e+00 : f32
      %broadcast_in_dim3A_48 = vector.broadcast %broadcast_in_dim3A_47 : f32 to vector<16xf32>
      %swap3A_49 = arith.index_cast %scan3A_27 : i32 to index
      %swap3A_50 = arith.constant 48 : index
      %swap3A_51 = tpu.vector_load %arg7[%swap3A_49, %swap3A_50] {strides = array<i32>} : memref<128x128xf32, #tpu.memory_space<vmem>>, vector<1x16xf32>,
      %swap3A_52 = vector.shape_cast %swap3A_51 : vector<1x16xf32> to vector<16xf32>
      %swap3A_53 = vector.shape_cast %broadcast_in_dim3A_48 : vector<16xf32> to vector<1x16xf32>
      tpu.vector_store %arg7[%swap3A_49, %swap3A_50], %swap3A_53 {strides = array<i32>} : memref<128x128xf32, #tpu.memory_space<vmem>>, vector<1x16xf32>,
      %broadcast_in_dim3A_54 = arith.constant 0.000000e+00 : f32
      %broadcast_in_dim3A_55 = vector.broadcast %broadcast_in_dim3A_54 : f32 to vector<16xf32>
      %swap3A_56 = arith.index_cast %scan3A_27 : i32 to index
      %swap3A_57 = arith.constant 64 : index
      %swap3A_58 = tpu.vector_load %arg7[%swap3A_56, %swap3A_57] {strides = array<i32>} : memref<128x128xf32, #tpu.memory_space<vmem>>, vector<1x16xf32>,
      %swap3A_59 = vector.shape_cast %swap3A_58 : vector<1x16xf32> to vector<16xf32>
      %swap3A_60 = vector.shape_cast %broadcast_in_dim3A_55 : vector<16xf32> to vector<1x16xf32>
      tpu.vector_store %arg7[%swap3A_56, %swap3A_57], %swap3A_60 {strides = array<i32>} : memref<128x128xf32, #tpu.memory_space<vmem>>, vector<1x16xf32>,
      %broadcast_in_dim3A_61 = arith.constant 0.000000e+00 : f32
      %broadcast_in_dim3A_62 = vector.broadcast %broadcast_in_dim3A_61 : f32 to vector<16xf32>
      %swap3A_63 = arith.index_cast %scan3A_27 : i32 to index
      %swap3A_64 = arith.constant 80 : index
      %swap3A_65 = tpu.vector_load %arg7[%swap3A_63, %swap3A_64] {strides = array<i32>} : memref<128x128xf32, #tpu.memory_space<vmem>>, vector<1x16xf32>,
      %swap3A_66 = vector.shape_cast %swap3A_65 : vector<1x16xf32> to vector<16xf32>
      %swap3A_67 = vector.shape_cast %broadcast_in_dim3A_62 : vector<16xf32> to vector<1x16xf32>
      tpu.vector_store %arg7[%swap3A_63, %swap3A_64], %swap3A_67 {strides = array<i32>} : memref<128x128xf32, #tpu.memory_space<vmem>>, vector<1x16xf32>,
      %broadcast_in_dim3A_68 = arith.constant 0.000000e+00 : f32
      %broadcast_in_dim3A_69 = vector.broadcast %broadcast_in_dim3A_68 : f32 to vector<16xf32>
      %swap3A_70 = arith.index_cast %scan3A_27 : i32 to index
      %swap3A_71 = arith.constant 96 : index
      %swap3A_72 = tpu.vector_load %arg7[%swap3A_70, %swap3A_71] {strides = array<i32>} : memref<128x128xf32, #tpu.memory_space<vmem>>, vector<1x16xf32>,
      %swap3A_73 = vector.shape_cast %swap3A_72 : vector<1x16xf32> to vector<16xf32>
      %swap3A_74 = vector.shape_cast %broadcast_in_dim3A_69 : vector<16xf32> to vector<1x16xf32>
      tpu.vector_store %arg7[%swap3A_70, %swap3A_71], %swap3A_74 {strides = array<i32>} : memref<128x128xf32, #tpu.memory_space<vmem>>, vector<1x16xf32>,
      %broadcast_in_dim3A_75 = arith.constant 0.000000e+00 : f32
      %broadcast_in_dim3A_76 = vector.broadcast %broadcast_in_dim3A_75 : f32 to vector<16xf32>
      %swap3A_77 = arith.index_cast %scan3A_27 : i32 to index
      %swap3A_78 = arith.constant 112 : index
      %swap3A_79 = tpu.vector_load %arg7[%swap3A_77, %swap3A_78] {strides = array<i32>} : memref<128x128xf32, #tpu.memory_space<vmem>>, vector<1x16xf32>,
      %swap3A_80 = vector.shape_cast %swap3A_79 : vector<1x16xf32> to vector<16xf32>
      %swap3A_81 = vector.shape_cast %broadcast_in_dim3A_76 : vector<16xf32> to vector<1x16xf32>
      tpu.vector_store %arg7[%swap3A_77, %swap3A_78], %swap3A_81 {strides = array<i32>} : memref<128x128xf32, #tpu.memory_space<vmem>>, vector<1x16xf32>,
    }
    %scan3A_9 = arith.constant 128 : i32
    %add3A_10 = arith.constant 0 : i32
    %add3A_11 = arith.addi %mul3A_4, %add3A_10 : i32
    "tpu.region"() ({
      %run_scoped3A = tpu.sem_alloc : memref<!tpu.dma_semaphore, #tpu.memory_space<semaphore_mem>>
      %dma_start3A = arith.constant 0 : i32
      %dma_start3A_27 = tpu.memref_slice %arg8[%add3A_11, %dma_start3A] : memref<10240x128xf32, #tpu.memory_space<vmem_shared>> -> memref<128x128xf32, #tpu.memory_space<vmem_shared>>
      %dma_start3A_28 = arith.constant 0 : i32
      %dma_start3A_29 = tpu.memref_slice %arg8[%add3A_11, %dma_start3A_28] : memref<10240x128xf32, #tpu.memory_space<vmem_shared>> -> memref<128x128xf32, #tpu.memory_space<vmem_shared>>
      tpu.enqueue_dma source(%arg7 : memref<128x128xf32, #tpu.memory_space<vmem>>) target(%dma_start3A_29 : memref<128x128xf32, #tpu.memory_space<vmem_shared>>) target_semaphore(%run_scoped3A : memref<!tpu.dma_semaphore, #tpu.memory_space<semaphore_mem>>)
      %dma_wait3A = arith.constant 0 : i32
      %dma_wait3A_30 = tpu.memref_slice %arg8[%add3A_11, %dma_wait3A] : memref<10240x128xf32, #tpu.memory_space<vmem_shared>> -> memref<128x128xf32, #tpu.memory_space<vmem_shared>>
      %dma_wait3A_31 = arith.constant 0 : i32
      %dma_wait3A_32 = tpu.memref_slice %arg8[%add3A_11, %dma_wait3A_31] : memref<10240x128xf32, #tpu.memory_space<vmem_shared>> -> memref<128x128xf32, #tpu.memory_space<vmem_shared>>
      tpu.wait_dma2 semaphore(%run_scoped3A : memref<!tpu.dma_semaphore, #tpu.memory_space<semaphore_mem>>) src(%arg7 : memref<128x128xf32, #tpu.memory_space<vmem>>) dst(%dma_wait3A_32 : memref<128x128xf32, #tpu.memory_space<vmem_shared>>)
      tpu.yield
    }) : () -> ()
    %add3A_12 = arith.constant 128 : i32
    %add3A_13 = arith.addi %mul3A_4, %add3A_12 : i32
    "tpu.region"() ({
      %run_scoped3A = tpu.sem_alloc : memref<!tpu.dma_semaphore, #tpu.memory_space<semaphore_mem>>
      %dma_start3A = arith.constant 0 : i32
      %dma_start3A_27 = tpu.memref_slice %arg8[%add3A_13, %dma_start3A] : memref<10240x128xf32, #tpu.memory_space<vmem_shared>> -> memref<128x128xf32, #tpu.memory_space<vmem_shared>>
      %dma_start3A_28 = arith.constant 0 : i32
      %dma_start3A_29 = tpu.memref_slice %arg8[%add3A_13, %dma_start3A_28] : memref<10240x128xf32, #tpu.memory_space<vmem_shared>> -> memref<128x128xf32, #tpu.memory_space<vmem_shared>>
      tpu.enqueue_dma source(%arg7 : memref<128x128xf32, #tpu.memory_space<vmem>>) target(%dma_start3A_29 : memref<128x128xf32, #tpu.memory_space<vmem_shared>>) target_semaphore(%run_scoped3A : memref<!tpu.dma_semaphore, #tpu.memory_space<semaphore_mem>>)
      %dma_wait3A = arith.constant 0 : i32
      %dma_wait3A_30 = tpu.memref_slice %arg8[%add3A_13, %dma_wait3A] : memref<10240x128xf32, #tpu.memory_space<vmem_shared>> -> memref<128x128xf32, #tpu.memory_space<vmem_shared>>
      %dma_wait3A_31 = arith.constant 0 : i32
      %dma_wait3A_32 = tpu.memref_slice %arg8[%add3A_13, %dma_wait3A_31] : memref<10240x128xf32, #tpu.memory_space<vmem_shared>> -> memref<128x128xf32, #tpu.memory_space<vmem_shared>>
      tpu.wait_dma2 semaphore(%run_scoped3A : memref<!tpu.dma_semaphore, #tpu.memory_space<semaphore_mem>>) src(%arg7 : memref<128x128xf32, #tpu.memory_space<vmem>>) dst(%dma_wait3A_32 : memref<128x128xf32, #tpu.memory_space<vmem_shared>>)
      tpu.yield
    }) : () -> ()
    %add3A_14 = arith.constant 256 : i32
    %add3A_15 = arith.addi %mul3A_4, %add3A_14 : i32
    "tpu.region"() ({
      %run_scoped3A = tpu.sem_alloc : memref<!tpu.dma_semaphore, #tpu.memory_space<semaphore_mem>>
      %dma_start3A = arith.constant 0 : i32
      %dma_start3A_27 = tpu.memref_slice %arg8[%add3A_15, %dma_start3A] : memref<10240x128xf32, #tpu.memory_space<vmem_shared>> -> memref<128x128xf32, #tpu.memory_space<vmem_shared>>
      %dma_start3A_28 = arith.constant 0 : i32
      %dma_start3A_29 = tpu.memref_slice %arg8[%add3A_15, %dma_start3A_28] : memref<10240x128xf32, #tpu.memory_space<vmem_shared>> -> memref<128x128xf32, #tpu.memory_space<vmem_shared>>
      tpu.enqueue_dma source(%arg7 : memref<128x128xf32, #tpu.memory_space<vmem>>) target(%dma_start3A_29 : memref<128x128xf32, #tpu.memory_space<vmem_shared>>) target_semaphore(%run_scoped3A : memref<!tpu.dma_semaphore, #tpu.memory_space<semaphore_mem>>)
      %dma_wait3A = arith.constant 0 : i32
      %dma_wait3A_30 = tpu.memref_slice %arg8[%add3A_15, %dma_wait3A] : memref<10240x128xf32, #tpu.memory_space<vmem_shared>> -> memref<128x128xf32, #tpu.memory_space<vmem_shared>>
      %dma_wait3A_31 = arith.constant 0 : i32
      %dma_wait3A_32 = tpu.memref_slice %arg8[%add3A_15, %dma_wait3A_31] : memref<10240x128xf32, #tpu.memory_space<vmem_shared>> -> memref<128x128xf32, #tpu.memory_space<vmem_shared>>
      tpu.wait_dma2 semaphore(%run_scoped3A : memref<!tpu.dma_semaphore, #tpu.memory_space<semaphore_mem>>) src(%arg7 : memref<128x128xf32, #tpu.memory_space<vmem>>) dst(%dma_wait3A_32 : memref<128x128xf32, #tpu.memory_space<vmem_shared>>)
      tpu.yield
    }) : () -> ()
    %add3A_16 = arith.constant 384 : i32
    %add3A_17 = arith.addi %mul3A_4, %add3A_16 : i32
    "tpu.region"() ({
      %run_scoped3A = tpu.sem_alloc : memref<!tpu.dma_semaphore, #tpu.memory_space<semaphore_mem>>
      %dma_start3A = arith.constant 0 : i32
      %dma_start3A_27 = tpu.memref_slice %arg8[%add3A_17, %dma_start3A] : memref<10240x128xf32, #tpu.memory_space<vmem_shared>> -> memref<128x128xf32, #tpu.memory_space<vmem_shared>>
      %dma_start3A_28 = arith.constant 0 : i32
      %dma_start3A_29 = tpu.memref_slice %arg8[%add3A_17, %dma_start3A_28] : memref<10240x128xf32, #tpu.memory_space<vmem_shared>> -> memref<128x128xf32, #tpu.memory_space<vmem_shared>>
      tpu.enqueue_dma source(%arg7 : memref<128x128xf32, #tpu.memory_space<vmem>>) target(%dma_start3A_29 : memref<128x128xf32, #tpu.memory_space<vmem_shared>>) target_semaphore(%run_scoped3A : memref<!tpu.dma_semaphore, #tpu.memory_space<semaphore_mem>>)
      %dma_wait3A = arith.constant 0 : i32
      %dma_wait3A_30 = tpu.memref_slice %arg8[%add3A_17, %dma_wait3A] : memref<10240x128xf32, #tpu.memory_space<vmem_shared>> -> memref<128x128xf32, #tpu.memory_space<vmem_shared>>
      %dma_wait3A_31 = arith.constant 0 : i32
      %dma_wait3A_32 = tpu.memref_slice %arg8[%add3A_17, %dma_wait3A_31] : memref<10240x128xf32, #tpu.memory_space<vmem_shared>> -> memref<128x128xf32, #tpu.memory_space<vmem_shared>>
      tpu.wait_dma2 semaphore(%run_scoped3A : memref<!tpu.dma_semaphore, #tpu.memory_space<semaphore_mem>>) src(%arg7 : memref<128x128xf32, #tpu.memory_space<vmem>>) dst(%dma_wait3A_32 : memref<128x128xf32, #tpu.memory_space<vmem_shared>>)
      tpu.yield
    }) : () -> ()
    %add3A_18 = arith.constant 512 : i32
    %add3A_19 = arith.addi %mul3A_4, %add3A_18 : i32
    "tpu.region"() ({
      %run_scoped3A = tpu.sem_alloc : memref<!tpu.dma_semaphore, #tpu.memory_space<semaphore_mem>>
      %dma_start3A = arith.constant 0 : i32
      %dma_start3A_27 = tpu.memref_slice %arg8[%add3A_19, %dma_start3A] : memref<10240x128xf32, #tpu.memory_space<vmem_shared>> -> memref<128x128xf32, #tpu.memory_space<vmem_shared>>
      %dma_start3A_28 = arith.constant 0 : i32
      %dma_start3A_29 = tpu.memref_slice %arg8[%add3A_19, %dma_start3A_28] : memref<10240x128xf32, #tpu.memory_space<vmem_shared>> -> memref<128x128xf32, #tpu.memory_space<vmem_shared>>
      tpu.enqueue_dma source(%arg7 : memref<128x128xf32, #tpu.memory_space<vmem>>) target(%dma_start3A_29 : memref<128x128xf32, #tpu.memory_space<vmem_shared>>) target_semaphore(%run_scoped3A : memref<!tpu.dma_semaphore, #tpu.memory_space<semaphore_mem>>)
      %dma_wait3A = arith.constant 0 : i32
      %dma_wait3A_30 = tpu.memref_slice %arg8[%add3A_19, %dma_wait3A] : memref<10240x128xf32, #tpu.memory_space<vmem_shared>> -> memref<128x128xf32, #tpu.memory_space<vmem_shared>>
      %dma_wait3A_31 = arith.constant 0 : i32
      %dma_wait3A_32 = tpu.memref_slice %arg8[%add3A_19, %dma_wait3A_31] : memref<10240x128xf32, #tpu.memory_space<vmem_shared>> -> memref<128x128xf32, #tpu.memory_space<vmem_shared>>
      tpu.wait_dma2 semaphore(%run_scoped3A : memref<!tpu.dma_semaphore, #tpu.memory_space<semaphore_mem>>) src(%arg7 : memref<128x128xf32, #tpu.memory_space<vmem>>) dst(%dma_wait3A_32 : memref<128x128xf32, #tpu.memory_space<vmem_shared>>)
      tpu.yield
    }) : () -> ()
    %barrier3A = arith.constant 0 : index
    tpu.barrier barrier_id(%barrier3A)
    %scan3A_20 = arith.constant 0 : i32
    %scan3A_21 = arith.constant 0 : i32
    %scan3A_22 = arith.constant 125 : i32
    %scan3A_23 = arith.addi %scan3A_21, %scan3A_22 : i32
    %scan3A_24 = arith.constant 1 : i32
    scf.for %scan3A_27 = %scan3A_21 to %scan3A_23 step %scan3A_24  : i32 {
      %mul3A_28 = arith.constant 80 : i32
      %mul3A_29 = arith.muli %scan3A_27, %mul3A_28 : i32
      %add3A_30 = arith.addi %mul3A_2, %mul3A_29 : i32
      "tpu.region"() ({
        %run_scoped3A = tpu.sem_alloc : memref<!tpu.dma_semaphore, #tpu.memory_space<semaphore_mem>>
        %dma_start3A = tpu.memref_slice %arg3[%add3A_30] : memref<320000xi32, #tpu.memory_space<hbm>> -> memref<80xi32, #tpu.memory_space<hbm>>
        %dma_start3A_31 = tpu.memref_slice %arg3[%add3A_30] : memref<320000xi32, #tpu.memory_space<hbm>> -> memref<80xi32, #tpu.memory_space<hbm>>
        tpu.enqueue_dma source(%dma_start3A_31 : memref<80xi32, #tpu.memory_space<hbm>>) target(%arg5 : memref<80xi32, #tpu.memory_space<vmem>>) target_semaphore(%run_scoped3A : memref<!tpu.dma_semaphore, #tpu.memory_space<semaphore_mem>>)
        %dma_wait3A = tpu.memref_slice %arg3[%add3A_30] : memref<320000xi32, #tpu.memory_space<hbm>> -> memref<80xi32, #tpu.memory_space<hbm>>
        %dma_wait3A_32 = tpu.memref_slice %arg3[%add3A_30] : memref<320000xi32, #tpu.memory_space<hbm>> -> memref<80xi32, #tpu.memory_space<hbm>>
        tpu.wait_dma2 semaphore(%run_scoped3A : memref<!tpu.dma_semaphore, #tpu.memory_space<semaphore_mem>>) src(%dma_wait3A_32 : memref<80xi32, #tpu.memory_space<hbm>>) dst(%arg5 : memref<80xi32, #tpu.memory_space<vmem>>)
        tpu.yield
      }) : () -> ()
      "tpu.region"() ({
        %run_scoped3A = tpu.sem_alloc : memref<!tpu.dma_semaphore, #tpu.memory_space<semaphore_mem>>
        %dma_start3A = arith.constant 0 : i32
        %dma_start3A_31 = tpu.memref_slice %arg2[%add3A_30, %dma_start3A] : memref<320000x128xf32, #tpu.memory_space<hbm>> -> memref<80x128xf32, #tpu.memory_space<hbm>>
        %dma_start3A_32 = arith.constant 0 : i32
        %dma_start3A_33 = tpu.memref_slice %arg2[%add3A_30, %dma_start3A_32] : memref<320000x128xf32, #tpu.memory_space<hbm>> -> memref<80x128xf32, #tpu.memory_space<hbm>>
        tpu.enqueue_dma source(%dma_start3A_33 : memref<80x128xf32, #tpu.memory_space<hbm>>) target(%arg6 : memref<80x128xf32, #tpu.memory_space<vmem>>) target_semaphore(%run_scoped3A : memref<!tpu.dma_semaphore, #tpu.memory_space<semaphore_mem>>)
        %dma_wait3A = arith.constant 0 : i32
        %dma_wait3A_34 = tpu.memref_slice %arg2[%add3A_30, %dma_wait3A] : memref<320000x128xf32, #tpu.memory_space<hbm>> -> memref<80x128xf32, #tpu.memory_space<hbm>>
        %dma_wait3A_35 = arith.constant 0 : i32
        %dma_wait3A_36 = tpu.memref_slice %arg2[%add3A_30, %dma_wait3A_35] : memref<320000x128xf32, #tpu.memory_space<hbm>> -> memref<80x128xf32, #tpu.memory_space<hbm>>
        tpu.wait_dma2 semaphore(%run_scoped3A : memref<!tpu.dma_semaphore, #tpu.memory_space<semaphore_mem>>) src(%dma_wait3A_36 : memref<80x128xf32, #tpu.memory_space<hbm>>) dst(%arg6 : memref<80x128xf32, #tpu.memory_space<vmem>>)
        tpu.yield
      }) : () -> ()
      "tpu.region"() ({
        %run_scoped3A = tpu.sem_alloc : memref<!tpu.dma_semaphore, #tpu.memory_space<semaphore_mem>>
        %dma_start3A = arith.constant 0 : i32
        %dma_start3A_31 = arith.constant 0 : i32
        %dma_start3A_32 = tpu.memref_slice %arg8[%dma_start3A, %dma_start3A_31] : memref<10240x128xf32, #tpu.memory_space<vmem_shared>> -> memref<10240x128xf32, #tpu.memory_space<vmem_shared>>
        tpu.enqueue_indirect_dma source(%arg6 : memref<80x128xf32, #tpu.memory_space<vmem>>) target(%dma_start3A_32 : memref<10240x128xf32, #tpu.memory_space<vmem_shared>>) offsets(%arg5 : memref<80xi32, #tpu.memory_space<vmem>>) semaphore(%run_scoped3A : memref<!tpu.dma_semaphore, #tpu.memory_space<semaphore_mem>>) {add = true}
        %dma_wait3A = arith.constant 0 : i32
        %dma_wait3A_33 = arith.constant 0 : i32
        %dma_wait3A_34 = tpu.memref_slice %arg8[%dma_wait3A, %dma_wait3A_33] : memref<10240x128xf32, #tpu.memory_space<vmem_shared>> -> memref<10240x128xf32, #tpu.memory_space<vmem_shared>>
        tpu.wait_indirect_dma semaphore(%run_scoped3A : memref<!tpu.dma_semaphore, #tpu.memory_space<semaphore_mem>>) src(%arg6 : memref<80x128xf32, #tpu.memory_space<vmem>>) dst(%dma_wait3A_34 : memref<10240x128xf32, #tpu.memory_space<vmem_shared>>)
        tpu.yield
      }) : () -> ()
    }
    %scan3A_25 = arith.constant 125 : i32
    %barrier3A_26 = arith.constant 0 : index
    tpu.barrier barrier_id(%barrier3A_26)
    "tpu.region"() ({
      %run_scoped3A = tpu.sem_alloc : memref<!tpu.dma_semaphore, #tpu.memory_space<semaphore_mem>>
      %dma_start3A = arith.constant 0 : i32
      %dma_start3A_27 = tpu.memref_slice %arg4[%arg0, %mul3A_4, %dma_start3A] : memref<2x10240x128xf32, #tpu.memory_space<hbm>> -> memref<1x640x128xf32, #tpu.memory_space<hbm>>
      %dma_start3A_28 = tpu.memref_squeeze %dma_start3A_27 : memref<1x640x128xf32, #tpu.memory_space<hbm>> -> memref<640x128xf32, #tpu.memory_space<hbm>>
      %dma_start3A_29 = arith.constant 0 : i32
      %dma_start3A_30 = tpu.memref_slice %arg8[%mul3A_4, %dma_start3A_29] : memref<10240x128xf32, #tpu.memory_space<vmem_shared>> -> memref<640x128xf32, #tpu.memory_space<vmem_shared>>
      tpu.enqueue_dma source(%dma_start3A_30 : memref<640x128xf32, #tpu.memory_space<vmem_shared>>) target(%dma_start3A_28 : memref<640x128xf32, #tpu.memory_space<hbm>>) target_semaphore(%run_scoped3A : memref<!tpu.dma_semaphore, #tpu.memory_space<semaphore_mem>>)
      %dma_wait3A = arith.constant 0 : i32
      %dma_wait3A_31 = tpu.memref_slice %arg4[%arg0, %mul3A_4, %dma_wait3A] : memref<2x10240x128xf32, #tpu.memory_space<hbm>> -> memref<1x640x128xf32, #tpu.memory_space<hbm>>
      %dma_wait3A_32 = tpu.memref_squeeze %dma_wait3A_31 : memref<1x640x128xf32, #tpu.memory_space<hbm>> -> memref<640x128xf32, #tpu.memory_space<hbm>>
      %dma_wait3A_33 = arith.constant 0 : i32
      %dma_wait3A_34 = tpu.memref_slice %arg8[%mul3A_4, %dma_wait3A_33] : memref<10240x128xf32, #tpu.memory_space<vmem_shared>> -> memref<640x128xf32, #tpu.memory_space<vmem_shared>>
      tpu.wait_dma2 semaphore(%run_scoped3A : memref<!tpu.dma_semaphore, #tpu.memory_space<semaphore_mem>>) src(%dma_wait3A_34 : memref<640x128xf32, #tpu.memory_space<vmem_shared>>) dst(%dma_wait3A_32 : memref<640x128xf32, #tpu.memory_space<hbm>>)
      tpu.yield
    }) : () -> ()
    return
  }
}

module attributes {stable_mosaic.version = 14 : i64} {
  func.func @_mlp_kernel(%arg0: i32, %arg1: memref<4000x128xf32, #tpu.memory_space<vmem>>, %arg2: memref<4000x128xf32, #tpu.memory_space<vmem>>, %arg3: memref<4000x16xf32, #tpu.memory_space<vmem>>, %arg4: memref<4000x1xf32, #tpu.memory_space<vmem>>, %arg5: memref<128x256xbf16, #tpu.memory_space<vmem>>, %arg6: memref<128x256xbf16, #tpu.memory_space<vmem>>, %arg7: memref<16x256xf32, #tpu.memory_space<vmem>>, %arg8: memref<32x256xf32, #tpu.memory_space<vmem>>, %arg9: memref<1x256xf32, #tpu.memory_space<vmem>>, %arg10: memref<256x128xbf16, #tpu.memory_space<vmem>>, %arg11: memref<1x128xf32, #tpu.memory_space<vmem>>, %arg12: memref<1x32xf32, #tpu.memory_space<vmem>>, %arg13: memref<1x32xf32, #tpu.memory_space<vmem>>, %arg14: memref<4000x128xf32, #tpu.memory_space<vmem>>) attributes {dimension_semantics = [#tpu.dimension_semantics<arbitrary>], iteration_bounds = array<i64: 80>, scalar_prefetch = 0 : i64, scratch_operands = 0 : i64, tpu.core_type = #tpu.core_type<tc>, window_params = [{transform_indices = @transform_0, window_bounds = array<i64: 4000, 128>}, {transform_indices = @transform_1, window_bounds = array<i64: 4000, 128>}, {transform_indices = @transform_2, window_bounds = array<i64: 4000, 16>}, {transform_indices = @transform_3, window_bounds = array<i64: 4000, 1>}, {pipeline_mode = #tpu.pipeline_mode<synchronous>, transform_indices = @transform_4, window_bounds = array<i64: 128, 256>}, {pipeline_mode = #tpu.pipeline_mode<synchronous>, transform_indices = @transform_5, window_bounds = array<i64: 128, 256>}, {pipeline_mode = #tpu.pipeline_mode<synchronous>, transform_indices = @transform_6, window_bounds = array<i64: 16, 256>}, {pipeline_mode = #tpu.pipeline_mode<synchronous>, transform_indices = @transform_7, window_bounds = array<i64: 32, 256>}, {pipeline_mode = #tpu.pipeline_mode<synchronous>, transform_indices = @transform_8, window_bounds = array<i64: 1, 256>}, {pipeline_mode = #tpu.pipeline_mode<synchronous>, transform_indices = @transform_9, window_bounds = array<i64: 256, 128>}, {pipeline_mode = #tpu.pipeline_mode<synchronous>, transform_indices = @transform_10, window_bounds = array<i64: 1, 128>}, {pipeline_mode = #tpu.pipeline_mode<synchronous>, transform_indices = @transform_11, window_bounds = array<i64: 1, 32>}, {pipeline_mode = #tpu.pipeline_mode<synchronous>, transform_indices = @transform_12, window_bounds = array<i64: 1, 32>}, {transform_indices = @transform_13, window_bounds = array<i64: 4000, 128>}]} {
    %get3A = arith.constant 0 : index
    %get3A_0 = arith.constant 0 : index
    %get3A_1 = vector.load %arg4[%get3A, %get3A_0] : memref<4000x1xf32, #tpu.memory_space<vmem>>, vector<4000x1xf32>
    %get3A_2 = arith.constant 0 : index
    %get3A_3 = arith.constant 0 : index
    %get3A_4 = vector.load %arg12[%get3A_2, %get3A_3] : memref<1x32xf32, #tpu.memory_space<vmem>>, vector<1x32xf32>
    %mul3A = vector.broadcast %get3A_1 : vector<4000x1xf32> to vector<4000x32xf32>
    %mul3A_5 = vector.broadcast %get3A_4 : vector<1x32xf32> to vector<4000x32xf32>
    %mul3A_6 = arith.mulf %mul3A, %mul3A_5 : vector<4000x32xf32>
    %get3A_7 = arith.constant 0 : index
    %get3A_8 = arith.constant 0 : index
    %get3A_9 = vector.load %arg13[%get3A_7, %get3A_8] : memref<1x32xf32, #tpu.memory_space<vmem>>, vector<1x32xf32>
    %add3A = vector.broadcast %get3A_9 : vector<1x32xf32> to vector<4000x32xf32>
    %add3A_10 = arith.addf %mul3A_6, %add3A : vector<4000x32xf32>
    %mul3A_11 = arith.mulf %add3A_10, %add3A_10 : vector<4000x32xf32>
    %broadcast_in_dim3A = arith.constant 3.65818487E-14 : f32
    %broadcast_in_dim3A_12 = vector.broadcast %broadcast_in_dim3A : f32 to vector<4000x32xf32>
    %mul3A_13 = arith.mulf %broadcast_in_dim3A_12, %mul3A_11 : vector<4000x32xf32>
    %add3A_14 = arith.constant -1.1118273E-11 : f32
    %add3A_15 = vector.broadcast %add3A_14 : f32 to vector<4000x32xf32>
    %add3A_16 = arith.addf %mul3A_13, %add3A_15 : vector<4000x32xf32>
    %mul3A_17 = arith.mulf %add3A_16, %mul3A_11 : vector<4000x32xf32>
    %add3A_18 = arith.constant 2.08184048E-9 : f32
    %add3A_19 = vector.broadcast %add3A_18 : f32 to vector<4000x32xf32>
    %add3A_20 = arith.addf %mul3A_17, %add3A_19 : vector<4000x32xf32>
    %mul3A_21 = arith.mulf %add3A_20, %mul3A_11 : vector<4000x32xf32>
    %add3A_22 = arith.constant -2.75519767E-7 : f32
    %add3A_23 = vector.broadcast %add3A_22 : f32 to vector<4000x32xf32>
    %add3A_24 = arith.addf %mul3A_21, %add3A_23 : vector<4000x32xf32>
    %mul3A_25 = arith.mulf %add3A_24, %mul3A_11 : vector<4000x32xf32>
    %add3A_26 = arith.constant 2.48012984E-5 : f32
    %add3A_27 = vector.broadcast %add3A_26 : f32 to vector<4000x32xf32>
    %add3A_28 = arith.addf %mul3A_25, %add3A_27 : vector<4000x32xf32>
    %mul3A_29 = arith.mulf %add3A_28, %mul3A_11 : vector<4000x32xf32>
    %add3A_30 = arith.constant -0.00138888753 : f32
    %add3A_31 = vector.broadcast %add3A_30 : f32 to vector<4000x32xf32>
    %add3A_32 = arith.addf %mul3A_29, %add3A_31 : vector<4000x32xf32>
    %mul3A_33 = arith.mulf %add3A_32, %mul3A_11 : vector<4000x32xf32>
    %add3A_34 = arith.constant 0.0416666567 : f32
    %add3A_35 = vector.broadcast %add3A_34 : f32 to vector<4000x32xf32>
    %add3A_36 = arith.addf %mul3A_33, %add3A_35 : vector<4000x32xf32>
    %mul3A_37 = arith.mulf %add3A_36, %mul3A_11 : vector<4000x32xf32>
    %add3A_38 = arith.constant -0.49999994 : f32
    %add3A_39 = vector.broadcast %add3A_38 : f32 to vector<4000x32xf32>
    %add3A_40 = arith.addf %mul3A_37, %add3A_39 : vector<4000x32xf32>
    %mul3A_41 = arith.mulf %add3A_40, %mul3A_11 : vector<4000x32xf32>
    %add3A_42 = arith.constant 1.000000e+00 : f32
    %add3A_43 = vector.broadcast %add3A_42 : f32 to vector<4000x32xf32>
    %add3A_44 = arith.addf %mul3A_41, %add3A_43 : vector<4000x32xf32>
    %get3A_45 = arith.constant 0 : index
    %get3A_46 = arith.constant 0 : index
    %get3A_47 = vector.load %arg1[%get3A_45, %get3A_46] : memref<4000x128xf32, #tpu.memory_space<vmem>>, vector<4000x128xf32>
    %convert_element_type3A = arith.truncf %get3A_47 : vector<4000x128xf32> to vector<4000x128xbf16>
    %get3A_48 = arith.constant 0 : index
    %get3A_49 = arith.constant 0 : index
    %get3A_50 = vector.load %arg5[%get3A_48, %get3A_49] : memref<128x256xbf16, #tpu.memory_space<vmem>>, vector<128x256xbf16>
    %dot_general3A = arith.constant dense<0.000000e+00> : vector<4000x256xf32>
    %dot_general3A_51 = tpu.matmul %convert_element_type3A, %get3A_50, %dot_general3A {dimension_numbers = #tpu.dot_dimension_numbers<[1], [0], [0], [1], [0, 0, 1, 1], [], []>, transpose_lhs_hint = false} : vector<4000x128xbf16>, vector<128x256xbf16>, vector<4000x256xf32> -> vector<4000x256xf32>
    %get3A_52 = arith.constant 0 : index
    %get3A_53 = arith.constant 0 : index
    %get3A_54 = vector.load %arg2[%get3A_52, %get3A_53] : memref<4000x128xf32, #tpu.memory_space<vmem>>, vector<4000x128xf32>
    %convert_element_type3A_55 = arith.truncf %get3A_54 : vector<4000x128xf32> to vector<4000x128xbf16>
    %get3A_56 = arith.constant 0 : index
    %get3A_57 = arith.constant 0 : index
    %get3A_58 = vector.load %arg6[%get3A_56, %get3A_57] : memref<128x256xbf16, #tpu.memory_space<vmem>>, vector<128x256xbf16>
    %dot_general3A_59 = arith.constant dense<0.000000e+00> : vector<4000x256xf32>
    %dot_general3A_60 = tpu.matmul %convert_element_type3A_55, %get3A_58, %dot_general3A_59 {dimension_numbers = #tpu.dot_dimension_numbers<[1], [0], [0], [1], [0, 0, 1, 1], [], []>, transpose_lhs_hint = false} : vector<4000x128xbf16>, vector<128x256xbf16>, vector<4000x256xf32> -> vector<4000x256xf32>
    %add3A_61 = arith.addf %dot_general3A_51, %dot_general3A_60 : vector<4000x256xf32>
    %get3A_62 = arith.constant 0 : index
    %get3A_63 = arith.constant 0 : index
    %get3A_64 = vector.load %arg3[%get3A_62, %get3A_63] : memref<4000x16xf32, #tpu.memory_space<vmem>>, vector<4000x16xf32>
    %get3A_65 = arith.constant 0 : index
    %get3A_66 = arith.constant 0 : index
    %get3A_67 = vector.load %arg7[%get3A_65, %get3A_66] : memref<16x256xf32, #tpu.memory_space<vmem>>, vector<16x256xf32>
    %dot_general3A_68 = arith.constant dense<0.000000e+00> : vector<4000x256xf32>
    %dot_general3A_69 = tpu.matmul %get3A_64, %get3A_67, %dot_general3A_68 {dimension_numbers = #tpu.dot_dimension_numbers<[1], [0], [0], [1], [0, 0, 1, 1], [], []>, transpose_lhs_hint = false} : vector<4000x16xf32>, vector<16x256xf32>, vector<4000x256xf32> -> vector<4000x256xf32>
    %add3A_70 = arith.addf %add3A_61, %dot_general3A_69 : vector<4000x256xf32>
    %get3A_71 = arith.constant 0 : index
    %get3A_72 = arith.constant 0 : index
    %get3A_73 = vector.load %arg8[%get3A_71, %get3A_72] : memref<32x256xf32, #tpu.memory_space<vmem>>, vector<32x256xf32>
    %dot_general3A_74 = arith.constant dense<0.000000e+00> : vector<4000x256xf32>
    %dot_general3A_75 = tpu.matmul %add3A_44, %get3A_73, %dot_general3A_74 {dimension_numbers = #tpu.dot_dimension_numbers<[1], [0], [0], [1], [0, 0, 1, 1], [], []>, transpose_lhs_hint = false} : vector<4000x32xf32>, vector<32x256xf32>, vector<4000x256xf32> -> vector<4000x256xf32>
    %add3A_76 = arith.addf %add3A_70, %dot_general3A_75 : vector<4000x256xf32>
    %get3A_77 = arith.constant 0 : index
    %get3A_78 = arith.constant 0 : index
    %get3A_79 = vector.load %arg9[%get3A_77, %get3A_78] : memref<1x256xf32, #tpu.memory_space<vmem>>, vector<1x256xf32>
    %add3A_80 = vector.broadcast %get3A_79 : vector<1x256xf32> to vector<4000x256xf32>
    %add3A_81 = arith.addf %add3A_76, %add3A_80 : vector<4000x256xf32>
    %max3A = arith.constant 0.000000e+00 : f32
    %max3A_82 = vector.broadcast %max3A : f32 to vector<4000x256xf32>
    %max3A_83 = arith.maximumf %add3A_81, %max3A_82 : vector<4000x256xf32>
    %convert_element_type3A_84 = arith.truncf %max3A_83 : vector<4000x256xf32> to vector<4000x256xbf16>
    %get3A_85 = arith.constant 0 : index
    %get3A_86 = arith.constant 0 : index
    %get3A_87 = vector.load %arg10[%get3A_85, %get3A_86] : memref<256x128xbf16, #tpu.memory_space<vmem>>, vector<256x128xbf16>
    %dot_general3A_88 = arith.constant dense<0.000000e+00> : vector<4000x128xf32>
    %dot_general3A_89 = tpu.matmul %convert_element_type3A_84, %get3A_87, %dot_general3A_88 {dimension_numbers = #tpu.dot_dimension_numbers<[1], [0], [0], [1], [0, 0, 1, 1], [], []>, transpose_lhs_hint = false} : vector<4000x256xbf16>, vector<256x128xbf16>, vector<4000x128xf32> -> vector<4000x128xf32>
    %get3A_90 = arith.constant 0 : index
    %get3A_91 = arith.constant 0 : index
    %get3A_92 = vector.load %arg11[%get3A_90, %get3A_91] : memref<1x128xf32, #tpu.memory_space<vmem>>, vector<1x128xf32>
    %add3A_93 = vector.broadcast %get3A_92 : vector<1x128xf32> to vector<4000x128xf32>
    %add3A_94 = arith.addf %dot_general3A_89, %add3A_93 : vector<4000x128xf32>
    %max3A_95 = arith.constant 0.000000e+00 : f32
    %max3A_96 = vector.broadcast %max3A_95 : f32 to vector<4000x128xf32>
    %max3A_97 = arith.maximumf %add3A_94, %max3A_96 : vector<4000x128xf32>
    %swap3A = arith.constant 0 : index
    %swap3A_98 = arith.constant 0 : index
    %swap3A_99 = vector.load %arg14[%swap3A, %swap3A_98] : memref<4000x128xf32, #tpu.memory_space<vmem>>, vector<4000x128xf32>
    tpu.vector_store %arg14[%swap3A, %swap3A_98], %max3A_97 {strides = array<i32>} : memref<4000x128xf32, #tpu.memory_space<vmem>>, vector<4000x128xf32>,
    return
  }
  func.func @transform_0(%arg0: i32) -> (i32, i32) {
    %c0_i32 = arith.constant 0 : i32
    %c0_i32_0 = arith.constant 0 : i32
    return %arg0, %c0_i32 : i32, i32
  }
  func.func @transform_1(%arg0: i32) -> (i32, i32) {
    %c0_i32 = arith.constant 0 : i32
    %c0_i32_0 = arith.constant 0 : i32
    return %arg0, %c0_i32 : i32, i32
  }
  func.func @transform_2(%arg0: i32) -> (i32, i32) {
    %c0_i32 = arith.constant 0 : i32
    %c0_i32_0 = arith.constant 0 : i32
    return %arg0, %c0_i32 : i32, i32
  }
  func.func @transform_3(%arg0: i32) -> (i32, i32) {
    %c0_i32 = arith.constant 0 : i32
    %c0_i32_0 = arith.constant 0 : i32
    return %arg0, %c0_i32 : i32, i32
  }
  func.func @transform_4(%arg0: i32) -> (i32, i32) {
    %c0_i32 = arith.constant 0 : i32
    %c0_i32_0 = arith.constant 0 : i32
    %c0_i32_1 = arith.constant 0 : i32
    return %c0_i32, %c0_i32_0 : i32, i32
  }
  func.func @transform_5(%arg0: i32) -> (i32, i32) {
    %c0_i32 = arith.constant 0 : i32
    %c0_i32_0 = arith.constant 0 : i32
    %c0_i32_1 = arith.constant 0 : i32
    return %c0_i32, %c0_i32_0 : i32, i32
  }
  func.func @transform_6(%arg0: i32) -> (i32, i32) {
    %c0_i32 = arith.constant 0 : i32
    %c0_i32_0 = arith.constant 0 : i32
    %c0_i32_1 = arith.constant 0 : i32
    return %c0_i32, %c0_i32_0 : i32, i32
  }
  func.func @transform_7(%arg0: i32) -> (i32, i32) {
    %c0_i32 = arith.constant 0 : i32
    %c0_i32_0 = arith.constant 0 : i32
    %c0_i32_1 = arith.constant 0 : i32
    return %c0_i32, %c0_i32_0 : i32, i32
  }
  func.func @transform_8(%arg0: i32) -> (i32, i32) {
    %c0_i32 = arith.constant 0 : i32
    %c0_i32_0 = arith.constant 0 : i32
    %c0_i32_1 = arith.constant 0 : i32
    return %c0_i32, %c0_i32_0 : i32, i32
  }
  func.func @transform_9(%arg0: i32) -> (i32, i32) {
    %c0_i32 = arith.constant 0 : i32
    %c0_i32_0 = arith.constant 0 : i32
    %c0_i32_1 = arith.constant 0 : i32
    return %c0_i32, %c0_i32_0 : i32, i32
  }
  func.func @transform_10(%arg0: i32) -> (i32, i32) {
    %c0_i32 = arith.constant 0 : i32
    %c0_i32_0 = arith.constant 0 : i32
    %c0_i32_1 = arith.constant 0 : i32
    return %c0_i32, %c0_i32_0 : i32, i32
  }
  func.func @transform_11(%arg0: i32) -> (i32, i32) {
    %c0_i32 = arith.constant 0 : i32
    %c0_i32_0 = arith.constant 0 : i32
    %c0_i32_1 = arith.constant 0 : i32
    return %c0_i32, %c0_i32_0 : i32, i32
  }
  func.func @transform_12(%arg0: i32) -> (i32, i32) {
    %c0_i32 = arith.constant 0 : i32
    %c0_i32_0 = arith.constant 0 : i32
    %c0_i32_1 = arith.constant 0 : i32
    return %c0_i32, %c0_i32_0 : i32, i32
  }
  func.func @transform_13(%arg0: i32) -> (i32, i32) {
    %c0_i32 = arith.constant 0 : i32
    %c0_i32_0 = arith.constant 0 : i32
    return %arg0, %c0_i32 : i32, i32
  }
}

module attributes {stable_mosaic.version = 14 : i64} {
  func.func @_finale_kernel(%arg0: memref<2x10240x128xf32, #tpu.memory_space<vmem>>, %arg1: memref<2x10240x128xf32, #tpu.memory_space<vmem>>, %arg2: memref<10000x128xf32, #tpu.memory_space<vmem>>, %arg3: memref<128x384xf32, #tpu.memory_space<vmem>>, %arg4: memref<1x384xf32, #tpu.memory_space<vmem>>, %arg5: memref<1x384xf32, #tpu.memory_space<vmem>>, %arg6: memref<128x128xf32, #tpu.memory_space<vmem>>, %arg7: memref<128x128xf32, #tpu.memory_space<vmem>>, %arg8: memref<1x128xf32, #tpu.memory_space<vmem>>, %arg9: memref<128x2xf32, #tpu.memory_space<vmem>>, %arg10: memref<1x2xf32, #tpu.memory_space<vmem>>, %arg11: memref<10000x2xf32, #tpu.memory_space<vmem>>) attributes {dimension_semantics = [], scalar_prefetch = 0 : i64, scratch_operands = 0 : i64, tpu.core_type = #tpu.core_type<tc>} {
    %get3A = arith.constant 0 : index
    %get3A_0 = arith.constant 0 : index
    %get3A_1 = arith.constant 0 : index
    %get3A_2 = vector.load %arg0[%get3A, %get3A_0, %get3A_1] : memref<2x10240x128xf32, #tpu.memory_space<vmem>>, vector<1x10240x128xf32>
    %get3A_3 = vector.shape_cast %get3A_2 : vector<1x10240x128xf32> to vector<10240x128xf32>
    %get3A_4 = arith.constant 1 : index
    %get3A_5 = arith.constant 0 : index
    %get3A_6 = arith.constant 0 : index
    %get3A_7 = vector.load %arg0[%get3A_4, %get3A_5, %get3A_6] : memref<2x10240x128xf32, #tpu.memory_space<vmem>>, vector<1x10240x128xf32>
    %get3A_8 = vector.shape_cast %get3A_7 : vector<1x10240x128xf32> to vector<10240x128xf32>
    %add3A = arith.addf %get3A_3, %get3A_8 : vector<10240x128xf32>
    %get3A_9 = arith.constant 0 : index
    %get3A_10 = arith.constant 0 : index
    %get3A_11 = arith.constant 0 : index
    %get3A_12 = vector.load %arg1[%get3A_9, %get3A_10, %get3A_11] : memref<2x10240x128xf32, #tpu.memory_space<vmem>>, vector<1x10240x1xf32>
    %get3A_13 = vector.shape_cast %get3A_12 : vector<1x10240x1xf32> to vector<10240x1xf32>
    %get3A_14 = arith.constant 1 : index
    %get3A_15 = arith.constant 0 : index
    %get3A_16 = arith.constant 0 : index
    %get3A_17 = vector.load %arg1[%get3A_14, %get3A_15, %get3A_16] : memref<2x10240x128xf32, #tpu.memory_space<vmem>>, vector<1x10240x1xf32>
    %get3A_18 = vector.shape_cast %get3A_17 : vector<1x10240x1xf32> to vector<10240x1xf32>
    %add3A_19 = arith.addf %get3A_13, %get3A_18 : vector<10240x1xf32>
    %max3A = arith.constant 1.000000e+00 : f32
    %max3A_20 = vector.broadcast %max3A : f32 to vector<10240x1xf32>
    %max3A_21 = arith.maximumf %add3A_19, %max3A_20 : vector<10240x1xf32>
    %div3A = vector.broadcast %max3A_21 : vector<10240x1xf32> to vector<10240x128xf32>
    %div3A_22 = arith.divf %add3A, %div3A : vector<10240x128xf32>
    %slice3A = vector.extract_strided_slice %div3A_22 {offsets = [0, 0], sizes = [10000, 128], strides = [1, 1]} : vector<10240x128xf32> to vector<10000x128xf32>
    %get3A_23 = arith.constant 0 : index
    %get3A_24 = arith.constant 0 : index
    %get3A_25 = vector.load %arg3[%get3A_23, %get3A_24] : memref<128x384xf32, #tpu.memory_space<vmem>>, vector<128x384xf32>
    %dot_general3A = arith.constant dense<0.000000e+00> : vector<10000x384xf32>
    %dot_general3A_26 = tpu.matmul %slice3A, %get3A_25, %dot_general3A {dimension_numbers = #tpu.dot_dimension_numbers<[1], [0], [0], [1], [0, 0, 1, 1], [], []>, transpose_lhs_hint = false} : vector<10000x128xf32>, vector<128x384xf32>, vector<10000x384xf32> -> vector<10000x384xf32>
    %get3A_27 = arith.constant 0 : index
    %get3A_28 = arith.constant 0 : index
    %get3A_29 = vector.load %arg4[%get3A_27, %get3A_28] : memref<1x384xf32, #tpu.memory_space<vmem>>, vector<1x384xf32>
    %add3A_30 = vector.broadcast %get3A_29 : vector<1x384xf32> to vector<10000x384xf32>
    %add3A_31 = arith.addf %dot_general3A_26, %add3A_30 : vector<10000x384xf32>
    %get3A_32 = arith.constant 0 : index
    %get3A_33 = arith.constant 0 : index
    %get3A_34 = vector.load %arg5[%get3A_32, %get3A_33] : memref<1x384xf32, #tpu.memory_space<vmem>>, vector<1x384xf32>
    %slice3A_35 = vector.extract_strided_slice %add3A_31 {offsets = [0, 0], sizes = [10000, 128], strides = [1, 1]} : vector<10000x384xf32> to vector<10000x128xf32>
    %slice3A_36 = vector.extract_strided_slice %get3A_34 {offsets = [0, 0], sizes = [1, 128], strides = [1, 1]} : vector<1x384xf32> to vector<1x128xf32>
    %add3A_37 = vector.broadcast %slice3A_36 : vector<1x128xf32> to vector<10000x128xf32>
    %add3A_38 = arith.addf %slice3A_35, %add3A_37 : vector<10000x128xf32>
    %logistic3A = arith.negf %add3A_38 : vector<10000x128xf32>
    %logistic3A_39 = math.exp %logistic3A : vector<10000x128xf32>
    %logistic3A_40 = arith.constant 1.000000e+00 : f32
    %logistic3A_41 = vector.broadcast %logistic3A_40 : f32 to vector<10000x128xf32>
    %logistic3A_42 = arith.addf %logistic3A_41, %logistic3A_39 : vector<10000x128xf32>
    %logistic3A_43 = arith.divf %logistic3A_41, %logistic3A_42 : vector<10000x128xf32>
    %slice3A_44 = vector.extract_strided_slice %add3A_31 {offsets = [0, 128], sizes = [10000, 128], strides = [1, 1]} : vector<10000x384xf32> to vector<10000x128xf32>
    %slice3A_45 = vector.extract_strided_slice %get3A_34 {offsets = [0, 128], sizes = [1, 128], strides = [1, 1]} : vector<1x384xf32> to vector<1x128xf32>
    %add3A_46 = vector.broadcast %slice3A_45 : vector<1x128xf32> to vector<10000x128xf32>
    %add3A_47 = arith.addf %slice3A_44, %add3A_46 : vector<10000x128xf32>
    %logistic3A_48 = arith.negf %add3A_47 : vector<10000x128xf32>
    %logistic3A_49 = math.exp %logistic3A_48 : vector<10000x128xf32>
    %logistic3A_50 = arith.constant 1.000000e+00 : f32
    %logistic3A_51 = vector.broadcast %logistic3A_50 : f32 to vector<10000x128xf32>
    %logistic3A_52 = arith.addf %logistic3A_51, %logistic3A_49 : vector<10000x128xf32>
    %logistic3A_53 = arith.divf %logistic3A_51, %logistic3A_52 : vector<10000x128xf32>
    %slice3A_54 = vector.extract_strided_slice %add3A_31 {offsets = [0, 256], sizes = [10000, 128], strides = [1, 1]} : vector<10000x384xf32> to vector<10000x128xf32>
    %slice3A_55 = vector.extract_strided_slice %get3A_34 {offsets = [0, 256], sizes = [1, 128], strides = [1, 1]} : vector<1x384xf32> to vector<1x128xf32>
    %mul3A = vector.broadcast %slice3A_55 : vector<1x128xf32> to vector<10000x128xf32>
    %mul3A_56 = arith.mulf %logistic3A_43, %mul3A : vector<10000x128xf32>
    %add3A_57 = arith.addf %slice3A_54, %mul3A_56 : vector<10000x128xf32>
    %tanh3A = math.tanh %add3A_57 : vector<10000x128xf32>
    %sub3A = arith.constant 1.000000e+00 : f32
    %sub3A_58 = vector.broadcast %sub3A : f32 to vector<10000x128xf32>
    %sub3A_59 = arith.subf %sub3A_58, %logistic3A_53 : vector<10000x128xf32>
    %mul3A_60 = arith.mulf %sub3A_59, %tanh3A : vector<10000x128xf32>
    %get3A_61 = arith.constant 0 : index
    %get3A_62 = arith.constant 0 : index
    %get3A_63 = vector.load %arg6[%get3A_61, %get3A_62] : memref<128x128xf32, #tpu.memory_space<vmem>>, vector<128x128xf32>
    %dot_general3A_64 = arith.constant dense<0.000000e+00> : vector<10000x128xf32>
    %dot_general3A_65 = tpu.matmul %mul3A_60, %get3A_63, %dot_general3A_64 {dimension_numbers = #tpu.dot_dimension_numbers<[1], [0], [0], [1], [0, 0, 1, 1], [], []>, transpose_lhs_hint = false} : vector<10000x128xf32>, vector<128x128xf32>, vector<10000x128xf32> -> vector<10000x128xf32>
    %get3A_66 = arith.constant 0 : index
    %get3A_67 = arith.constant 0 : index
    %get3A_68 = vector.load %arg2[%get3A_66, %get3A_67] : memref<10000x128xf32, #tpu.memory_space<vmem>>, vector<10000x128xf32>
    %get3A_69 = arith.constant 0 : index
    %get3A_70 = arith.constant 0 : index
    %get3A_71 = vector.load %arg7[%get3A_69, %get3A_70] : memref<128x128xf32, #tpu.memory_space<vmem>>, vector<128x128xf32>
    %dot_general3A_72 = arith.constant dense<0.000000e+00> : vector<10000x128xf32>
    %dot_general3A_73 = tpu.matmul %get3A_68, %get3A_71, %dot_general3A_72 {dimension_numbers = #tpu.dot_dimension_numbers<[1], [0], [0], [1], [0, 0, 1, 1], [], []>, transpose_lhs_hint = false} : vector<10000x128xf32>, vector<128x128xf32>, vector<10000x128xf32> -> vector<10000x128xf32>
    %add3A_74 = arith.addf %dot_general3A_65, %dot_general3A_73 : vector<10000x128xf32>
    %get3A_75 = arith.constant 0 : index
    %get3A_76 = arith.constant 0 : index
    %get3A_77 = vector.load %arg8[%get3A_75, %get3A_76] : memref<1x128xf32, #tpu.memory_space<vmem>>, vector<1x128xf32>
    %add3A_78 = vector.broadcast %get3A_77 : vector<1x128xf32> to vector<10000x128xf32>
    %add3A_79 = arith.addf %add3A_74, %add3A_78 : vector<10000x128xf32>
    %max3A_80 = arith.constant 0.000000e+00 : f32
    %max3A_81 = vector.broadcast %max3A_80 : f32 to vector<10000x128xf32>
    %max3A_82 = arith.maximumf %add3A_79, %max3A_81 : vector<10000x128xf32>
    %get3A_83 = arith.constant 0 : index
    %get3A_84 = arith.constant 0 : index
    %get3A_85 = vector.load %arg9[%get3A_83, %get3A_84] : memref<128x2xf32, #tpu.memory_space<vmem>>, vector<128x2xf32>
    %dot_general3A_86 = arith.constant dense<0.000000e+00> : vector<10000x2xf32>
    %dot_general3A_87 = tpu.matmul %max3A_82, %get3A_85, %dot_general3A_86 {dimension_numbers = #tpu.dot_dimension_numbers<[1], [0], [0], [1], [0, 0, 1, 1], [], []>, transpose_lhs_hint = false} : vector<10000x128xf32>, vector<128x2xf32>, vector<10000x2xf32> -> vector<10000x2xf32>
    %get3A_88 = arith.constant 0 : index
    %get3A_89 = arith.constant 0 : index
    %get3A_90 = vector.load %arg10[%get3A_88, %get3A_89] : memref<1x2xf32, #tpu.memory_space<vmem>>, vector<1x2xf32>
    %add3A_91 = vector.broadcast %get3A_90 : vector<1x2xf32> to vector<10000x2xf32>
    %add3A_92 = arith.addf %dot_general3A_87, %add3A_91 : vector<10000x2xf32>
    %swap3A = arith.constant 0 : index
    %swap3A_93 = arith.constant 0 : index
    %swap3A_94 = vector.load %arg11[%swap3A, %swap3A_93] : memref<10000x2xf32, #tpu.memory_space<vmem>>, vector<10000x2xf32>
    tpu.vector_store %arg11[%swap3A, %swap3A_93], %add3A_92 {strides = array<i32>} : memref<10000x2xf32, #tpu.memory_space<vmem>>, vector<10000x2xf32>,
    return
  }
}

</mosaic_0001>

<sc_bundles>
// kernel: kernel.6.cloned.1.call-start
scs
__scs_entry_jumppad:
0x0: {  	(pc) =	sbr.rel $0x88, $3  }
0x1: {  	(tag) =	ssettag $0x0;
	lr =	simm.s32 $0x1  }
0x2: {  	[smem:$0x3F8D] =	sst lr;
	_ =	strace $0xD0000000  }
0x3: {  	_ = 	snop  }
0x4: {  	_ = 	snop  }
0x5: {  	_ = 	snop  }
0x6: {  	_ = 	snop  }
0x7: {  	_ = 	snop  }
__scs_overlays_trampoline_lowered:
0x8: {  	[smem:$0x3F9C] =	sst s0  }
0x9: {  	[smem:$0x3F9D] =	sst s1  }
0xa: {  	[smem:$0x3F9E] =	sst s2  }
0xb: {  	[smem:$0x3F9F] =	sst s3  }
0xc: {  	[smem:$0x3FA0] =	sst s4  }
0xd: {  	[smem:$0x3FA1] =	sst s5  }
0xe: {  	[smem:$0x3FA2] =	sst s6  }
0xf: {  	[smem:$0x3FA3] =	sst s7  }
0x10: {  	[smem:$0x3FA4] =	sst s8  }
0x11: {  	[smem:$0x3FA5] =	sst s9;
	s0 =	simm.s32 @!p0 $0x0  }
0x12: {  	s1 =	sld [smem:$0x3F8B];
	s0 =	simm.s32 @p0 $0x1  }
0x13: {  	[smem:$0x3FA6] =	sst s0;
	s0 =	simm.s32 @!p1 $0x0  }
0x14: {  	s2 =	sld [smem:$0x3F8A];
	s0 =	simm.s32 @p1 $0x1  }
0x15: {  	[smem:$0x3FA7] =	sst s0;
	s0 =	simm.s32 @!p2 $0x0  }
0x16: {  	s3 =	sld [smem:$0x3FDB];
	s0 =	simm.s32 @p2 $0x1  }
0x17: {  	s4 =	simm.s32 $0x1BF5;
	[smem:$0x3FA9] =	sst s0  }
0x18: {  	s0 =	sld [smem:$0x3F8C];
	_ =	swait.ge [sflag:s4], $0x0  }
0x19: {  	s7 =	sld [smem:$0x3F8D]  }
0x1a: {  	s8 =	sadd.s32 $0xFFFFE003, lr  }
0x1b: {  	s9 =	sadd.s32 $0xFFFFFEF7, lr;
	s5 =	simm.s32 $0xFFFFFFFF;
	p2 =	slt.u32 s8, $0xFFFFF086  }
0x1c: {  	p1 =	slt.u32 s9, $0xF7A;
	s5 =	simm.s32 @!p2 $0x0  }
0x1d: {  	s5 =	simm.s32 @p1 $0x1;
	p0 =	seq.s32 s7, s2  }
0x1e: {  	s7 =	smul.u32 @!p0 $0xF7A, s2;
	p2 =	seq.s32 @!p0 s5, $0x0  }
0x1f: {  	s9 =	smul.u32 $0xF7A, s1;
	s8 =	simm.s32 @!p0 $0x1BF5;
	p2 =	por !p2, p0  }
0x20: {  	[sflag:s8] =	ssyncset.s32 @!p0 $0xFFFFF086;
	s6 =	sadd.s32 @!p0 s3, s7;
	s7 =	simm.s32 @!p0 $0x108  }
0x21: {  	s3 =	sadd.s32 s3, s9;
	s6 =	sadd.s32 @!p0 $0x88, s6;
	s7 =	simm.s32 @p2 $0x1082  }
0x22: {  	[simem:s7], [sflag:s8] =	dma.local @!p0 [hbm:s6], $0xF7A  }
0x23: {  	s9 =	sor.u32 $0xD0000000, s2;
	s6 =	simm.s32 $0x108;
	_ =	swait.ge @!p0 [sflag:s8], $0x0  }
0x24: {  	s3 =	sadd.s32 $0x88, s3;
	s6 =	simm.s32 @!p1 $0x1082;
	[sflag:s4] =	ssyncset.s32 $0xFFFFF086  }
0x25: {  	[simem:s6], [sflag:s4] =	dma.local [hbm:s3], $0xF7A  }
0x26: {  	[smem:$0x3F8D] =	sst s1;
	(tag) =	ssettag s2;
	_ =	strace s9  }
0x27: {  	s1 =	sld [smem:$0x3F9D]  }
0x28: {  	s2 =	sld [smem:$0x3F9E]  }
0x29: {  	s4 =	sld [smem:$0x3FA0]  }
0x2a: {  	p0 =	seq.s32 s5, $0x0;
	s5 =	sld [smem:$0x3FA1]  }
0x2b: {  	s6 =	sld [smem:$0x3FA2]  }
0x2c: {  	s7 =	sld [smem:$0x3FA3]  }
0x2d: {  	s3 =	simm.s32 $0x108;
	s8 =	sld [smem:$0x3FA4]  }
0x2e: {  	s3 =	simm.s32 @!p0 $0x1082;
	s9 =	sld [smem:$0x3FA5]  }
0x2f: {  	lr =	sadd.s32 s0, s3;
	s0 =	sld [smem:$0x3F9C]  }
0x30: {  	s3 =	sld [smem:$0x3F9F]  }
0x31: {  	[smem:$0x3FA8] =	sst s10  }
0x32: {  	s10 =	sld [smem:$0x3FA6];
	_ =	sdelay $0x3  }
0x33: {  	p0 =	seq.s32 s10, $0x1;
	s10 =	sld [smem:$0x3FA8];
	_ =	sdelay $0x3  }
0x34: {  	[smem:$0x3FA8] =	sst s10  }
0x35: {  	s10 =	sld [smem:$0x3FA7];
	_ =	sdelay $0x3  }
0x36: {  	p1 =	seq.s32 s10, $0x1;
	s10 =	sld [smem:$0x3FA8];
	_ =	sdelay $0x3  }
0x37: {  	[smem:$0x3FA8] =	sst s10  }
0x38: {  	s10 =	sld [smem:$0x3FA9]  }
0x39: {  	_ = 	snop;
	(pc) =	sbr.ind lr, $3  }
0x3a: {  	_ = 	snop  }
0x3b: {  	_ = 	snop  }
0x3c: {  	p2 =	seq.s32 s10, $0x1;
	s10 =	sld [smem:$0x3FA8]  }
0x3d: {  	_ =	shalt  }
0x3e: {  	_ =	shalt  }
0x3f: {  	_ =	shalt  }
0x40: {  	_ =	shalt  }
0x41: {  	_ =	shalt  }
0x42: {  	_ =	shalt  }
0x43: {  	_ =	shalt  }
0x44: {  	_ =	shalt  }
0x45: {  	_ =	shalt  }
0x46: {  	_ =	shalt  }
0x47: {  	_ =	shalt  }
0x48: {  	_ =	shalt  }
0x49: {  	_ =	shalt  }
0x4a: {  	_ =	shalt  }
0x4b: {  	_ =	shalt  }
0x4c: {  	_ =	shalt  }
0x4d: {  	_ =	shalt  }
0x4e: {  	_ =	shalt  }
0x4f: {  	_ =	shalt  }
0x50: {  	_ =	shalt  }
0x51: {  	_ =	shalt  }
0x52: {  	_ =	shalt  }
0x53: {  	_ =	shalt  }
0x54: {  	_ =	shalt  }
0x55: {  	_ =	shalt  }
0x56: {  	_ =	shalt  }
0x57: {  	_ =	shalt  }
0x58: {  	_ =	shalt  }
0x59: {  	_ =	shalt  }
0x5a: {  	_ =	shalt  }
0x5b: {  	_ =	shalt  }
0x5c: {  	_ =	shalt  }
0x5d: {  	_ =	shalt  }
0x5e: {  	_ =	shalt  }
0x5f: {  	_ =	shalt  }
0x60: {  	_ =	shalt  }
0x61: {  	_ =	shalt  }
0x62: {  	_ =	shalt  }
0x63: {  	_ =	shalt  }
0x64: {  	_ =	shalt  }
0x65: {  	_ =	shalt  }
0x66: {  	_ =	shalt  }
0x67: {  	_ =	shalt  }
0x68: {  	_ =	shalt  }
0x69: {  	_ =	shalt  }
0x6a: {  	_ =	shalt  }
0x6b: {  	_ =	shalt  }
0x6c: {  	_ =	shalt  }
0x6d: {  	_ =	shalt  }
0x6e: {  	_ =	shalt  }
0x6f: {  	_ =	shalt  }
0x70: {  	_ =	shalt  }
0x71: {  	_ =	shalt  }
0x72: {  	_ =	shalt  }
0x73: {  	_ =	shalt  }
0x74: {  	_ =	shalt  }
0x75: {  	_ =	shalt  }
0x76: {  	_ =	shalt  }
0x77: {  	_ =	shalt  }
0x78: {  	_ =	shalt  }
0x79: {  	_ =	shalt  }
0x7a: {  	_ =	shalt  }
0x7b: {  	_ =	shalt  }
0x7c: {  	_ =	shalt  }
0x7d: {  	_ =	shalt  }
0x7e: {  	_ =	shalt  }
0x7f: {  	_ =	shalt  }
0x80: {  	_ =	shalt  }
0x81: {  	_ =	shalt  }
0x82: {  	_ =	shalt  }
0x83: {  	_ =	shalt  }
0x84: {  	_ =	shalt  }
0x85: {  	_ =	shalt  }
0x86: {  	_ =	shalt  }
0x87: {  	_ =	shalt  }
.Lfunc_end0:
.L_simem_size_0:
called_computation_lowered:
.L_overlay_start_0:
0x88: {  	s2 =	sld [smem:$0x3FD9]  }
0x89: {  	s3 =	sld [smem:$0x3FFE];
	_ =	sdelay $0x1  }
0x8a: {  	s1 =	srdreg.scid  }
0x8b: {  	s0 =	sand.u32 $0x1, s1  }
0x8c: {  	s17 =	sshll.u32 s0, $0xA;
	s2 =	sadd.s32 s3, s2  }
0x8d: {  	s2 =	sadd.s32 s2, s17  }
0x8e: {  	[smem:$0x3FB4] =	sst s2  }
0x8f: {  	_ = 	snop  }
0x90: {  	s2 =	sld [smem:$0x3FC9]  }
0x91: {  	s18 =	sld [smem:$0x3FC8]  }
0x92: {  	s4 =	sld [smem:$0x3FC7];
	(tm) =	ssettm $0x1  }
0x93: {  	s5 =	sld [smem:$0x3FFB];
	_ =	sdelay $0x3  }
0x94: {  	_ =	strace s5  }
0x95: {  	s5 =	sld [smem:$0x3FFC];
	_ =	sdelay $0x3  }
0x96: {  	_ =	strace s5  }
0x97: {  	s5 =	sld [smem:$0x3FFD];
	_ =	sdelay $0x3  }
0x98: {  	_ =	strace s5  }
0x99: {  	_ =	strace $0x8FFFFFFF  }
0x9a: {  	s19 =	sld [smem:$0x3FDB];
	_ =	sdelay $0x1  }
0x9b: {  	s6 =	simm.s32 $_scs_section_size  }
0x9c: {  	s7 =	simm.s32 $_size__tile_overlayer_lowered;
	s8 =	simm.s32 $_tile_overlayer_lowered  }
0x9d: {  	s22 =	simm.s32 $0x1BFF;
	s21 =	sshll.u32 s8, $0x1;
	s5 =	sadd.s32 s6, s19  }
0x9e: {  	s9 =	simm.s32 $0x0;
	s20 =	sshll.u32 s7, $0x1;
	s7 =	sadd.s32 s21, s5  }
0x9f: {  	[timem:s9], [sflag:s22] =	dma.local [hbm:s7], s20  }
0xa0: {  	_ =	swait.ge [sflag:s22], s20  }
0xa1: {  	s6 =	ssub.s32 $0x0, s20;
	[sflag:s22] =	ssyncset.done $0x0  }
0xa2: {  	[sflag:s22] =	ssyncadd.s32 s6;
	_ =	sdelay $0x1  }
0xa3: {  	s23 =	simm.s32 $0x1B8B  }
0xa4: {  	_ =	swait.ge [sflag:s23], $0x1  }
0xa5: {  	[sflag:s23] =	ssyncset.done $0x0  }
0xa6: {  	s25 =	simm.s32 $0x1B8E;
	s24 =	sld [smem:$0x3FFE];
	[sflag:s23] =	ssyncadd.s32 $0xFFFFFFFF  }
0xa7: {  	s26 =	simm.s32 $execute0_lowered;
	[smem:$0x3FD2] =	sst s25  }
0xa8: {  	s7 =	sshll.u32 s26, $0x1;
	_ =	strace $0x80000046;
	[dreg:$0x1] =	wrdreg $0xFFFFFFFF  }
0xa9: {  	s28 =	simm.s32 $_size_execute0_lowered;
	s5 =	sadd.s32 s5, s7;
	[dreg:$0x0] =	wrdreg $0x0  }
0xaa: {  	s7 =	sshll.u32 s28, $0x1;
	[dreg:$0x2] =	wrdreg s5  }
0xab: {  	[dreg:$0x3] =	wrdreg s7  }
0xac: {  	[dreg:$0x4] =	wrdreg $0xC0  }
0xad: {  	_ =	task [dreg:s9], $0x5FFFF  }
0xae: {  	[dreg:$0x1] =	wrdreg $0xFFFFFFFF  }
0xaf: {  	[dreg:$0x0] =	wrdreg $0x60  }
0xb0: {  	[dreg:$0x2] =	wrdreg s2  }
0xb1: {  	[dreg:$0x3] =	wrdreg s18  }
0xb2: {  	[dreg:$0x4] =	wrdreg s4  }
0xb3: {  	[dreg:$0x5] =	wrdreg s24  }
0xb4: {  	[dreg:$0x6] =	wrdreg $0xB9000  }
0xb5: {  	[dreg:$0x7] =	wrdreg $0x9  }
0xb6: {  	_ =	task.clear_ibuf [dreg:s9], $0x8FFFF;
	_ =	strace $0x90000046  }
0xb7: {  	s29 =	simm.s32 $0x9;
	_ =	strace $0x80000048  }
0xb8: {  	_ =	swait.ge [sflag:s29], $0x1  }
0xb9: {  	[sflag:s29] =	ssyncadd.s32 $0xFFFFFFFF  }
0xba: {  	_ =	strace $0x90000048  }
0xbb: {  	_ =	sfence  }
0xbc: {  	s30 =	sld [smem:$0x0];
	_ =	sdelay $0x2  }
0xbd: {  	s31 =	sshll.u32 s1, $0xD;
	s1 =	sshrl.u32 s1, $0x2  }
0xbe: {  	s3 =	sand.u32 $0x4000, s31;
	s1 =	sadd.s32 s1, s30  }
0xbf: {  	s0 =	sor.u32 s3, s0;
	s1 =	sshll.u32 s1, $0x11  }
0xc0: {  	s0 =	sor.u32 s1, s0  }
0xc1: {  	s0 =	sadd.s32 $0x8F2B, s0  }
0xc2: {  	[sflag:s0] =	ssyncadd.remote.s32 $0x1  }
0xc3: {  	_ =	sfence.sel $0xFFFF  }
0xc4: {  	[dreg:$0x0] =	wrdreg $0xFFFFFFFF;
	(pc) =	sbr.abs _section_cstart, $3  }
0xc5: {  	[dreg:$0x1] =	wrdreg $0xFFFFFFFF  }
0xc6: {  	_ =	task.clear_ibuf [dreg:s9], $0x2FFFF;
	_ =	strace $0x9FFFFFFF  }
0xc7: {  	(tm) =	ssettm $0x7FFFFFFF  }
tec
execute0_lowered:
.L_overlay_start_1:
0x0: {  	(tag) =	ssettag $0x1  }
0x1: {  	s0 =	rddreg [dreg:$0x0]  }
0x2: {  	s15 =	rddreg [dreg:$0x1]  }
0x3: {  	s14 =	rddreg [dreg:$0x2]  }
0x4: {  	s1 =	srdreg.scid;
	s5 =	rddreg [dreg:$0x3]  }
0x5: {  	s28 =	stileid.u32;
	s3 =	rddreg [dreg:$0x4];
	s4 =	simm.s32 $0x0  }
0x6: {  	s18 =	simm.s32 $0x80;
	s19 =	simm.s32 $0x50;
	s7 =	smul.u32 $0x14000, s28  }
0x7: {  	s20 =	simm.s32 $0x100;
	s21 =	simm.s32 $0x2900;
	s9 =	smul.u32 $0x4E200, s28  }
0x8: {  	s22 =	simm.s32 $0x1;
	s23 =	simm.s32 $0x2;
	s29 =	smul.u32 $0x50000, s28  }
0x9: {  	s24 =	simm.s32 $0x5100;
	s8 =	sand.u32 $0x1, s1;
	s16 =	smul.u32 $0x4E20, s28  }
0xa: {  	s25 =	simm.s32 $0x0;
	[smem:$0x7FF] =	sst s4;
	s6 =	smul.u32 $0x140000, s8  }
0xb: {  	_ =	strace $0x80000047;
	s30 =	ssub.s32 $0x2, s8;
	s13 =	smul.u32 $0x27100, s8  }
0xc: {  	s17 =	smul.u32 $0x2710, s8;
	s12 =	sadd.s32 s9, s5;
	s31 =	sshrl.u32 s30, $0x1  }
0xd: {  	s6 =	sadd.s32 s7, s6;
	s7 =	sshrl.u32 s29, $0x2;
	s11 =	ssub.s32 s30, s31  }
0xe: {  	s13 =	sadd.s32 s13, s12;
	s16 =	sadd.s32 s17, s16;
	s17 =	simm.s32 $0x3  }
0xf: {  	s6 =	sshrl.u32 s6, $0x3;
	s11 =	smax.u32 s11, $0x1;
	s12 =	sadd.s32 $0x3600, s13  }
0x10: {  	s13 =	sadd.s32 $0x4E5600, s13;
	s16 =	sshrl.u32 s16, $0x3;
	s10 =	sadd.s32 s6, s5  }
0x11: {  	s5 =	sadd.s32 s7, s3;
	s14 =	sadd.s32 s16, s14;
	s15 =	sadd.s32 s16, s15  }
0x12: {  	s16 =	simm.s32 $0x7900;
	s6 =	sadd.s32 $0x4000, s5;
	s7 =	sadd.s32 $0x8000, s5  }
0x13: {  	v0 =	vimm.f32 $0.0e+00;
	v1 =	vimm.f32 $1.000000000e+00;
	s8 =	sadd.s32 $0xC000, s5;
	s9 =	sadd.s32 $0x10000, s5;
	s10 =	sadd.s32 $0x9C7600, s10  }
.LBB2_1:
0x14: {  	s26 =	simm.s32 $0x0;
	s28 =	simm.s32 $0x200  }
.LBB2_2:
0x15: {  	p0 =	sne.s32 s28, $0xFE00;
	[tilespmem:s26+$0x7970] =	vst v0  }
0x16: {  	[tilespmem:s26+$0x7900] =	vst v0  }
0x17: {  	[tilespmem:s26+$0x7910] =	vst v0  }
.Ltmp0:
0x18: {  	[tilespmem:s26+$0x7920] =	vst v0;
	(pc) =	sbr.rel @p0 .LBB2_2-.Ltmp0, $4  }
0x19: {  	[tilespmem:s26+$0x7930] =	vst v0  }
0x1a: {  	[tilespmem:s26+$0x7940] =	vst v0  }
0x1b: {  	[tilespmem:s26+$0x7950] =	vst v0  }
0x1c: {  	[tilespmem:s26+$0x7960] =	vst v0;
	s26 =	sshra.s32 s28, $0x2;
	s28 =	sadd.s32 $0x200, s28  }
0x1d: {  	[tilespmem:s26+$0x7970] =	vst v0  }
0x1e: {  	[tilespmem:s26+$0x7900] =	vst v0  }
0x1f: {  	[tilespmem:s26+$0x7910] =	vst v0  }
0x20: {  	[tilespmem:s26+$0x7920] =	vst v0  }
0x21: {  	[tilespmem:s26+$0x7930] =	vst v0  }
0x22: {  	[tilespmem:s26+$0x7940] =	vst v0  }
0x23: {  	[tilespmem:s26+$0x7950] =	vst v0  }
0x24: {  	[tilespmem:s26+$0x7960] =	vst v0;
	s26 =	simm.s32 $0x0;
	s28 =	simm.s32 $0x200  }
.LBB2_4:
0x25: {  	p0 =	sne.s32 s28, $0x9E00;
	[tilespmem:s26+$0x5170] =	vst v1  }
0x26: {  	[tilespmem:s26+$0x5100] =	vst v1  }
0x27: {  	[tilespmem:s26+$0x5110] =	vst v1  }
.Ltmp1:
0x28: {  	[tilespmem:s26+$0x5120] =	vst v1;
	(pc) =	sbr.rel @p0 .LBB2_4-.Ltmp1, $4  }
0x29: {  	[tilespmem:s26+$0x5130] =	vst v1  }
0x2a: {  	[tilespmem:s26+$0x5140] =	vst v1  }
0x2b: {  	[tilespmem:s26+$0x5150] =	vst v1  }
0x2c: {  	[tilespmem:s26+$0x5160] =	vst v1;
	s26 =	sshra.s32 s28, $0x2;
	s28 =	sadd.s32 $0x200, s28  }
0x2d: {  	[tilespmem:s26+$0x5170] =	vst v1  }
0x2e: {  	[tilespmem:s26+$0x5100] =	vst v1  }
0x2f: {  	[tilespmem:s26+$0x5110] =	vst v1  }
0x30: {  	[tilespmem:s26+$0x5120] =	vst v1  }
0x31: {  	[tilespmem:s26+$0x5130] =	vst v1  }
0x32: {  	[tilespmem:s26+$0x5140] =	vst v1  }
0x33: {  	[tilespmem:s26+$0x5150] =	vst v1  }
0x34: {  	[tilespmem:s26+$0x5160] =	vst v1  }
0x35: {  	[spmem:s5] =	stream.linear.scatter [tilespmem:s16], [sflag:$0x3], $0x4000, $0x38;
	[tilespmem:$0x1F900] =	vst v63  }
0x36: {  	_ =	swait.ge [sflag:s17], $0x4000  }
0x37: {  	[sflag:s17] =	ssyncset.done $0x0  }
0x38: {  	[sflag:s17] =	ssyncadd.s32 $0xFFFFC000  }
0x39: {  	[spmem:s6] =	stream.linear.scatter [tilespmem:s16], [sflag:$0x3], $0x4000, $0x38;
	[tilespmem:$0x1F900] =	vst v63  }
0x3a: {  	_ =	swait.ge [sflag:s17], $0x4000  }
0x3b: {  	[sflag:s17] =	ssyncset.done $0x0  }
0x3c: {  	[sflag:s17] =	ssyncadd.s32 $0xFFFFC000  }
0x3d: {  	[spmem:s7] =	stream.linear.scatter [tilespmem:s16], [sflag:$0x3], $0x4000, $0x38;
	[tilespmem:$0x1F900] =	vst v63  }
0x3e: {  	_ =	swait.ge [sflag:s17], $0x4000  }
0x3f: {  	[sflag:s17] =	ssyncset.done $0x0  }
0x40: {  	[sflag:s17] =	ssyncadd.s32 $0xFFFFC000  }
0x41: {  	[spmem:s8] =	stream.linear.scatter [tilespmem:s16], [sflag:$0x3], $0x4000, $0x38;
	[tilespmem:$0x1F900] =	vst v63  }
0x42: {  	_ =	swait.ge [sflag:s17], $0x4000  }
0x43: {  	[sflag:s17] =	ssyncset.done $0x0  }
0x44: {  	[sflag:s17] =	ssyncadd.s32 $0xFFFFC000  }
0x45: {  	[spmem:s9] =	stream.linear.scatter [tilespmem:s16], [sflag:$0x3], $0x4000, $0x38;
	[tilespmem:$0x1F900] =	vst v63  }
0x46: {  	_ =	swait.ge [sflag:s17], $0x4000  }
0x47: {  	[sflag:s17] =	ssyncset.done $0x0  }
0x48: {  	[sflag:s17] =	ssyncadd.s32 $0xFFFFC000  }
0x49: {  	s2 =	sadd.s32 $0x0, s15;
	[bflag:$0x0] =	sbarrier.arrive $0xFFFF  }
0x4a: {  	[tilespmem:s4], [sflag:$0x3] =	stream.linear.gather [hbm4b:s2+s4], $0x50, $0x38;
	[tilespmem:$0x1F900] =	vst v63  }
0x4b: {  	_ =	swait.ge [sflag:s17], $0x50  }
0x4c: {  	[sflag:s17] =	ssyncset.done $0x0  }
0x4d: {  	s31 =	sadd.s32 $0x0, s14;
	[sflag:s17] =	ssyncadd.s32 $0xFFFFFFB0  }
0x4e: {  	[tilespmem:s18], [sflag:$0x3] =	stream.linear.gather [hbm4b:s31+s4], $0x50, $0x38;
	[tilespmem:$0x1F900] =	vst v63  }
0x4f: {  	_ =	swait.ge [sflag:s17], $0x50  }
0x50: {  	[sflag:s17] =	ssyncset.done $0x0  }
0x51: {  	[sflag:s17] =	ssyncadd.s32 $0xFFFFFFB0  }
0x52: {  	[tilespmem:s20], [sflag:$0x1] =	stream.indirect.gather [hbm4b:s0+s19], $0x80, s4, s19, $0xb8;
	[tilespmem:$0x1F900] =	vst v63  }
0x53: {  	_ = 	snop  }
0x54: {  	[tilespmem:s21], [sflag:$0x2] =	stream.indirect.gather [hbm4b:s0+s19], $0x80, s18, s19, $0xb8;
	[tilespmem:$0x1F900] =	vst v63  }
0x55: {  	_ =	swait.ge [sflag:s22], $0x2800  }
0x56: {  	[sflag:s22] =	ssyncset.done $0x0  }
0x57: {  	[sflag:s22] =	ssyncadd.s32 $0xFFFFD800  }
0x58: {  	_ =	swait.ge [sflag:s23], $0x2800  }
0x59: {  	[sflag:s23] =	ssyncset.done $0x0  }
0x5a: {  	[sflag:s23] =	ssyncadd.s32 $0xFFFFD800  }
0x5b: {  	[hbm4b:s12+s4] =	stream.linear.scatter [tilespmem:s20], [sflag:$0x3], $0x2800, $0x38;
	[tilespmem:$0x1F900] =	vst v63  }
0x5c: {  	_ =	swait.ge [sflag:s17], $0x2800  }
0x5d: {  	[sflag:s17] =	ssyncset.done $0x0  }
0x5e: {  	[sflag:s17] =	ssyncadd.s32 $0xFFFFD800  }
0x5f: {  	[hbm4b:s13+s4] =	stream.linear.scatter [tilespmem:s21], [sflag:$0x3], $0x2800, $0x38;
	[tilespmem:$0x1F900] =	vst v63  }
0x60: {  	_ =	swait.ge [sflag:s17], $0x2800  }
0x61: {  	[sflag:s17] =	ssyncset.done $0x0  }
0x62: {  	[sflag:s17] =	ssyncadd.s32 $0xFFFFD800  }
0x63: {  	[spmem:s3] =	stream.indirect.scatter.add.f32 [tilespmem:s24], [sflag:$0x3], $0x80, s18, s19, $0xb8;
	[tilespmem:$0x1F900] =	vst v63  }
0x64: {  	s29 =	simm.s32 $0xA;
	s30 =	simm.s32 $0x14;
	_ =	swait.ge [sflag:s17], $0x2800  }
0x65: {  	s28 =	sadd.s32 $0x500, s12;
	s26 =	sadd.s32 $0x500, s13;
	[sflag:s17] =	ssyncset.done $0x0  }
.LBB2_6:
0x66: {  	s31 =	sadd.s32 s29, s15  }
0x67: {  	[sflag:s17] =	ssyncadd.s32 $0xFFFFD800;
	s2 =	smov.u32 s30;
	s1 =	sadd.s32 $0xA, s30  }
0x68: {  	[tilespmem:s4], [sflag:$0x3] =	stream.linear.gather [hbm4b:s31+s4], $0x50, $0x38;
	[tilespmem:$0x1F900] =	vst v63  }
0x69: {  	p0 =	sne.s32 s30, $0x4D8;
	_ =	swait.ge [sflag:s17], $0x50  }
0x6a: {  	[sflag:s17] =	ssyncset.done $0x0  }
0x6b: {  	s30 =	sadd.s32 s29, s14;
	s29 =	smov.u32 s2;
	[sflag:s17] =	ssyncadd.s32 $0xFFFFFFB0  }
0x6c: {  	[tilespmem:s18], [sflag:$0x3] =	stream.linear.gather [hbm4b:s30+s4], $0x50, $0x38;
	[tilespmem:$0x1F900] =	vst v63  }
0x6d: {  	_ =	swait.ge [sflag:s17], $0x50  }
0x6e: {  	[sflag:s17] =	ssyncset.done $0x0  }
0x6f: {  	[sflag:s17] =	ssyncadd.s32 $0xFFFFFFB0  }
0x70: {  	[tilespmem:s20], [sflag:$0x1] =	stream.indirect.gather [hbm4b:s0+s19], $0x80, s4, s19, $0xb8;
	[tilespmem:$0x1F900] =	vst v63  }
0x71: {  	_ = 	snop  }
0x72: {  	[tilespmem:s21], [sflag:$0x2] =	stream.indirect.gather [hbm4b:s0+s19], $0x80, s18, s19, $0xb8;
	[tilespmem:$0x1F900] =	vst v63  }
0x73: {  	_ =	swait.ge [sflag:s22], $0x2800  }
0x74: {  	[sflag:s22] =	ssyncset.done $0x0  }
0x75: {  	[sflag:s22] =	ssyncadd.s32 $0xFFFFD800  }
0x76: {  	_ =	swait.ge [sflag:s23], $0x2800  }
0x77: {  	[sflag:s23] =	ssyncset.done $0x0  }
0x78: {  	[sflag:s23] =	ssyncadd.s32 $0xFFFFD800  }
0x79: {  	[hbm4b:s28+s4] =	stream.linear.scatter [tilespmem:s20], [sflag:$0x3], $0x2800, $0x38;
	[tilespmem:$0x1F900] =	vst v63  }
0x7a: {  	_ =	swait.ge [sflag:s17], $0x2800  }
0x7b: {  	[sflag:s17] =	ssyncset.done $0x0  }
0x7c: {  	[sflag:s17] =	ssyncadd.s32 $0xFFFFD800  }
0x7d: {  	[hbm4b:s26+s4] =	stream.linear.scatter [tilespmem:s21], [sflag:$0x3], $0x2800, $0x38;
	[tilespmem:$0x1F900] =	vst v63  }
0x7e: {  	_ =	swait.ge [sflag:s17], $0x2800  }
.Ltmp2:
0x7f: {  	[sflag:s17] =	ssyncset.done $0x0;
	(pc) =	sbr.rel @p0 .LBB2_6-.Ltmp2, $4  }
0x80: {  	[sflag:s17] =	ssyncadd.s32 $0xFFFFD800  }
0x81: {  	[spmem:s3] =	stream.indirect.scatter.add.f32 [tilespmem:s24], [sflag:$0x3], $0x80, s18, s19, $0xb8;
	[tilespmem:$0x1F900] =	vst v63  }
0x82: {  	s30 =	smov.u32 s1;
	_ =	swait.ge [sflag:s17], $0x2800  }
0x83: {  	s28 =	sadd.s32 $0x500, s28;
	s26 =	sadd.s32 $0x500, s26;
	[sflag:s17] =	ssyncset.done $0x0  }
0x84: {  	s1 =	sadd.s32 s29, s15;
	[sflag:s17] =	ssyncadd.s32 $0xFFFFD800  }
0x85: {  	[tilespmem:s4], [sflag:$0x3] =	stream.linear.gather [hbm4b:s1+s4], $0x50, $0x38;
	[tilespmem:$0x1F900] =	vst v63  }
0x86: {  	_ =	swait.ge [sflag:s17], $0x50  }
0x87: {  	[sflag:s17] =	ssyncset.done $0x0  }
0x88: {  	s30 =	sadd.s32 s29, s14;
	[sflag:s17] =	ssyncadd.s32 $0xFFFFFFB0  }
0x89: {  	[tilespmem:s18], [sflag:$0x3] =	stream.linear.gather [hbm4b:s30+s4], $0x50, $0x38;
	[tilespmem:$0x1F900] =	vst v63  }
0x8a: {  	_ =	swait.ge [sflag:s17], $0x50  }
0x8b: {  	[sflag:s17] =	ssyncset.done $0x0  }
0x8c: {  	[sflag:s17] =	ssyncadd.s32 $0xFFFFFFB0  }
0x8d: {  	[tilespmem:s20], [sflag:$0x1] =	stream.indirect.gather [hbm4b:s0+s19], $0x80, s4, s19, $0xb8;
	[tilespmem:$0x1F900] =	vst v63  }
0x8e: {  	_ = 	snop  }
0x8f: {  	[tilespmem:s21], [sflag:$0x2] =	stream.indirect.gather [hbm4b:s0+s19], $0x80, s18, s19, $0xb8;
	[tilespmem:$0x1F900] =	vst v63  }
0x90: {  	_ =	swait.ge [sflag:s22], $0x2800  }
0x91: {  	[sflag:s22] =	ssyncset.done $0x0  }
0x92: {  	[sflag:s22] =	ssyncadd.s32 $0xFFFFD800  }
0x93: {  	_ =	swait.ge [sflag:s23], $0x2800  }
0x94: {  	[sflag:s23] =	ssyncset.done $0x0  }
0x95: {  	[sflag:s23] =	ssyncadd.s32 $0xFFFFD800  }
0x96: {  	[hbm4b:s28+s4] =	stream.linear.scatter [tilespmem:s20], [sflag:$0x3], $0x2800, $0x38;
	[tilespmem:$0x1F900] =	vst v63  }
0x97: {  	_ =	swait.ge [sflag:s17], $0x2800  }
0x98: {  	[sflag:s17] =	ssyncset.done $0x0  }
0x99: {  	[sflag:s17] =	ssyncadd.s32 $0xFFFFD800  }
0x9a: {  	[hbm4b:s26+s4] =	stream.linear.scatter [tilespmem:s21], [sflag:$0x3], $0x2800, $0x38;
	[tilespmem:$0x1F900] =	vst v63  }
0x9b: {  	_ =	swait.ge [sflag:s17], $0x2800  }
0x9c: {  	[sflag:s17] =	ssyncset.done $0x0  }
0x9d: {  	[sflag:s17] =	ssyncadd.s32 $0xFFFFD800  }
0x9e: {  	[spmem:s3] =	stream.indirect.scatter.add.f32 [tilespmem:s24], [sflag:$0x3], $0x80, s18, s19, $0xb8;
	[tilespmem:$0x1F900] =	vst v63  }
0x9f: {  	s31 =	stileid.u32;
	_ =	swait.ge [sflag:s17], $0x2800  }
0xa0: {  	s2 =	sshrl.u32 s5, $0x3;
	s25 =	sadd.s32 $0x1, s25;
	[sflag:s17] =	ssyncset.done $0x0  }
0xa1: {  	s1 =	sshll.u32 s31, $0x6;
	p0 =	sne.s32 s25, s11;
	[sflag:s17] =	ssyncadd.s32 $0xFFFFD800  }
.Ltmp3:
0xa2: {  	s1 =	sor.u32 $0x1C03, s1;
	[bflag:$0x0] =	sbarrier.arrive $0xFFFF;
	(pc) =	sbr.rel @p0 .LBB2_1-.Ltmp3, $4  }
0xa3: {  	[hbm:s10], [sflag:s1] =	dma.local [spmem:s2], $0x2800  }
0xa4: {  	_ =	swait.ge [sflag:s17], $0x2800  }
0xa5: {  	[sflag:s17] =	ssyncset.done $0x0  }
0xa6: {  	[sflag:s17] =	ssyncadd.s32 $0xFFFFD800  }
0xa7: {  	_ =	sfence.sel $0x180000  }
0xa8: {  	[bflag:$0x0] =	sbarrier.arrive $0xFFFF  }
0xa9: {  	_ =	strace $0x90000047  }
0xaa: {  	s0 =	stileid.u32;
	[bflag:$0x2] =	sbarrier.arrive $0xFFFF  }
0xab: {  	p0 =	sne.s32 s0, $0x0;
	s0 =	rddreg [dreg:$0x5]  }
0xac: {  	s0 =	sadd.s32 @!p0 $0x100000, s0  }
0xad: {  	[sflag:s0] =	ssyncadd.tile.s32 @!p0 $0x1;
	_ =	shalt  }
.Lfunc_end2:
_tile_overlayer_lowered:
.L_overlay_start_2:
0xae: {  	(tag) =	ssettag $0x2  }
0xaf: {  	s0 =	rddreg [dreg:$0x0];
	s2 =	stileid.u32  }
0xb0: {  	s1 =	rddreg [dreg:$0x1];
	p0 =	sne.s32 s2, $0x0  }
0xb1: {  	s3 =	rddreg [dreg:$0x2];
	[bflag:$0x3] =	sbarrier.arrive $0xFFFF;
	s2 =	simm.s32 @!p0 $0x1C03  }
0xb2: {  	[timem:s3], [sflag:s2] =	dma.local @!p0 [hbm:s0], s1  }
0xb3: {  	s0 =	simm.s32 @!p0 $0x3  }
0xb4: {  	_ =	swait.ge @!p0 [sflag:s0], s1  }
0xb5: {  	s1 =	ssub.s32 @!p0 $0x0, s1;
	[sflag:s0] =	ssyncset.done @!p0 $0x0  }
0xb6: {  	[sflag:s0] =	ssyncadd.s32 @!p0 s1  }
0xb7: {  	[bflag:$0x3] =	sbarrier.arrive $0xFFFF  }
0xb8: {  	_ =	shalt  }

// kernel: kernel.9.cloned.1.call-start
scs
__scs_entry_jumppad:
0x0: {  	(pc) =	sbr.rel $0x88, $3  }
0x1: {  	(tag) =	ssettag $0x0;
	lr =	simm.s32 $0x1  }
0x2: {  	[smem:$0x3F8D] =	sst lr;
	_ =	strace $0xD0000000  }
0x3: {  	_ = 	snop  }
0x4: {  	_ = 	snop  }
0x5: {  	_ = 	snop  }
0x6: {  	_ = 	snop  }
0x7: {  	_ = 	snop  }
__scs_overlays_trampoline_lowered:
0x8: {  	[smem:$0x3F9C] =	sst s0  }
0x9: {  	[smem:$0x3F9D] =	sst s1  }
0xa: {  	[smem:$0x3F9E] =	sst s2  }
0xb: {  	[smem:$0x3F9F] =	sst s3  }
0xc: {  	[smem:$0x3FA0] =	sst s4  }
0xd: {  	[smem:$0x3FA1] =	sst s5  }
0xe: {  	[smem:$0x3FA2] =	sst s6  }
0xf: {  	[smem:$0x3FA3] =	sst s7  }
0x10: {  	[smem:$0x3FA4] =	sst s8  }
0x11: {  	[smem:$0x3FA5] =	sst s9;
	s0 =	simm.s32 @!p0 $0x0  }
0x12: {  	s1 =	sld [smem:$0x3F8B];
	s0 =	simm.s32 @p0 $0x1  }
0x13: {  	[smem:$0x3FA6] =	sst s0;
	s0 =	simm.s32 @!p1 $0x0  }
0x14: {  	s2 =	sld [smem:$0x3F8A];
	s0 =	simm.s32 @p1 $0x1  }
0x15: {  	[smem:$0x3FA7] =	sst s0;
	s0 =	simm.s32 @!p2 $0x0  }
0x16: {  	s3 =	sld [smem:$0x3FDB];
	s0 =	simm.s32 @p2 $0x1  }
0x17: {  	s4 =	simm.s32 $0x1BF5;
	[smem:$0x3FA9] =	sst s0  }
0x18: {  	s0 =	sld [smem:$0x3F8C];
	_ =	swait.ge [sflag:s4], $0x0  }
0x19: {  	s7 =	sld [smem:$0x3F8D]  }
0x1a: {  	s8 =	sadd.s32 $0xFFFFE003, lr  }
0x1b: {  	s9 =	sadd.s32 $0xFFFFFEF7, lr;
	s5 =	simm.s32 $0xFFFFFFFF;
	p2 =	slt.u32 s8, $0xFFFFF086  }
0x1c: {  	p1 =	slt.u32 s9, $0xF7A;
	s5 =	simm.s32 @!p2 $0x0  }
0x1d: {  	s5 =	simm.s32 @p1 $0x1;
	p0 =	seq.s32 s7, s2  }
0x1e: {  	s7 =	smul.u32 @!p0 $0xF7A, s2;
	p2 =	seq.s32 @!p0 s5, $0x0  }
0x1f: {  	s9 =	smul.u32 $0xF7A, s1;
	s8 =	simm.s32 @!p0 $0x1BF5;
	p2 =	por !p2, p0  }
0x20: {  	[sflag:s8] =	ssyncset.s32 @!p0 $0xFFFFF086;
	s6 =	sadd.s32 @!p0 s3, s7;
	s7 =	simm.s32 @!p0 $0x108  }
0x21: {  	s3 =	sadd.s32 s3, s9;
	s6 =	sadd.s32 @!p0 $0x88, s6;
	s7 =	simm.s32 @p2 $0x1082  }
0x22: {  	[simem:s7], [sflag:s8] =	dma.local @!p0 [hbm:s6], $0xF7A  }
0x23: {  	s9 =	sor.u32 $0xD0000000, s2;
	s6 =	simm.s32 $0x108;
	_ =	swait.ge @!p0 [sflag:s8], $0x0  }
0x24: {  	s3 =	sadd.s32 $0x88, s3;
	s6 =	simm.s32 @!p1 $0x1082;
	[sflag:s4] =	ssyncset.s32 $0xFFFFF086  }
0x25: {  	[simem:s6], [sflag:s4] =	dma.local [hbm:s3], $0xF7A  }
0x26: {  	[smem:$0x3F8D] =	sst s1;
	(tag) =	ssettag s2;
	_ =	strace s9  }
0x27: {  	s1 =	sld [smem:$0x3F9D]  }
0x28: {  	s2 =	sld [smem:$0x3F9E]  }
0x29: {  	s4 =	sld [smem:$0x3FA0]  }
0x2a: {  	p0 =	seq.s32 s5, $0x0;
	s5 =	sld [smem:$0x3FA1]  }
0x2b: {  	s6 =	sld [smem:$0x3FA2]  }
0x2c: {  	s7 =	sld [smem:$0x3FA3]  }
0x2d: {  	s3 =	simm.s32 $0x108;
	s8 =	sld [smem:$0x3FA4]  }
0x2e: {  	s3 =	simm.s32 @!p0 $0x1082;
	s9 =	sld [smem:$0x3FA5]  }
0x2f: {  	lr =	sadd.s32 s0, s3;
	s0 =	sld [smem:$0x3F9C]  }
0x30: {  	s3 =	sld [smem:$0x3F9F]  }
0x31: {  	[smem:$0x3FA8] =	sst s10  }
0x32: {  	s10 =	sld [smem:$0x3FA6];
	_ =	sdelay $0x3  }
0x33: {  	p0 =	seq.s32 s10, $0x1;
	s10 =	sld [smem:$0x3FA8];
	_ =	sdelay $0x3  }
0x34: {  	[smem:$0x3FA8] =	sst s10  }
0x35: {  	s10 =	sld [smem:$0x3FA7];
	_ =	sdelay $0x3  }
0x36: {  	p1 =	seq.s32 s10, $0x1;
	s10 =	sld [smem:$0x3FA8];
	_ =	sdelay $0x3  }
0x37: {  	[smem:$0x3FA8] =	sst s10  }
0x38: {  	s10 =	sld [smem:$0x3FA9]  }
0x39: {  	_ = 	snop;
	(pc) =	sbr.ind lr, $3  }
0x3a: {  	_ = 	snop  }
0x3b: {  	_ = 	snop  }
0x3c: {  	p2 =	seq.s32 s10, $0x1;
	s10 =	sld [smem:$0x3FA8]  }
0x3d: {  	_ =	shalt  }
0x3e: {  	_ =	shalt  }
0x3f: {  	_ =	shalt  }
0x40: {  	_ =	shalt  }
0x41: {  	_ =	shalt  }
0x42: {  	_ =	shalt  }
0x43: {  	_ =	shalt  }
0x44: {  	_ =	shalt  }
0x45: {  	_ =	shalt  }
0x46: {  	_ =	shalt  }
0x47: {  	_ =	shalt  }
0x48: {  	_ =	shalt  }
0x49: {  	_ =	shalt  }
0x4a: {  	_ =	shalt  }
0x4b: {  	_ =	shalt  }
0x4c: {  	_ =	shalt  }
0x4d: {  	_ =	shalt  }
0x4e: {  	_ =	shalt  }
0x4f: {  	_ =	shalt  }
0x50: {  	_ =	shalt  }
0x51: {  	_ =	shalt  }
0x52: {  	_ =	shalt  }
0x53: {  	_ =	shalt  }
0x54: {  	_ =	shalt  }
0x55: {  	_ =	shalt  }
0x56: {  	_ =	shalt  }
0x57: {  	_ =	shalt  }
0x58: {  	_ =	shalt  }
0x59: {  	_ =	shalt  }
0x5a: {  	_ =	shalt  }
0x5b: {  	_ =	shalt  }
0x5c: {  	_ =	shalt  }
0x5d: {  	_ =	shalt  }
0x5e: {  	_ =	shalt  }
0x5f: {  	_ =	shalt  }
0x60: {  	_ =	shalt  }
0x61: {  	_ =	shalt  }
0x62: {  	_ =	shalt  }
0x63: {  	_ =	shalt  }
0x64: {  	_ =	shalt  }
0x65: {  	_ =	shalt  }
0x66: {  	_ =	shalt  }
0x67: {  	_ =	shalt  }
0x68: {  	_ =	shalt  }
0x69: {  	_ =	shalt  }
0x6a: {  	_ =	shalt  }
0x6b: {  	_ =	shalt  }
0x6c: {  	_ =	shalt  }
0x6d: {  	_ =	shalt  }
0x6e: {  	_ =	shalt  }
0x6f: {  	_ =	shalt  }
0x70: {  	_ =	shalt  }
0x71: {  	_ =	shalt  }
0x72: {  	_ =	shalt  }
0x73: {  	_ =	shalt  }
0x74: {  	_ =	shalt  }
0x75: {  	_ =	shalt  }
0x76: {  	_ =	shalt  }
0x77: {  	_ =	shalt  }
0x78: {  	_ =	shalt  }
0x79: {  	_ =	shalt  }
0x7a: {  	_ =	shalt  }
0x7b: {  	_ =	shalt  }
0x7c: {  	_ =	shalt  }
0x7d: {  	_ =	shalt  }
0x7e: {  	_ =	shalt  }
0x7f: {  	_ =	shalt  }
0x80: {  	_ =	shalt  }
0x81: {  	_ =	shalt  }
0x82: {  	_ =	shalt  }
0x83: {  	_ =	shalt  }
0x84: {  	_ =	shalt  }
0x85: {  	_ =	shalt  }
0x86: {  	_ =	shalt  }
0x87: {  	_ =	shalt  }
.Lfunc_end0:
.L_simem_size_0:
called_computation.1_lowered:
.L_overlay_start_0:
0x88: {  	s2 =	sld [smem:$0x3FD9]  }
0x89: {  	s3 =	sld [smem:$0x3FFE];
	_ =	sdelay $0x1  }
0x8a: {  	s1 =	srdreg.scid  }
0x8b: {  	s0 =	sand.u32 $0x1, s1  }
0x8c: {  	s17 =	sshll.u32 s0, $0xA;
	s2 =	sadd.s32 s3, s2  }
0x8d: {  	s2 =	sadd.s32 s2, s17  }
0x8e: {  	[smem:$0x3FB4] =	sst s2  }
0x8f: {  	_ = 	snop  }
0x90: {  	s2 =	sld [smem:$0x3FC7];
	(tm) =	ssettm $0x1  }
0x91: {  	s18 =	sld [smem:$0x3FFB];
	_ =	sdelay $0x3  }
0x92: {  	_ =	strace s18  }
0x93: {  	s3 =	sld [smem:$0x3FFC];
	_ =	sdelay $0x3  }
0x94: {  	_ =	strace s3  }
0x95: {  	s3 =	sld [smem:$0x3FFD];
	_ =	sdelay $0x3  }
0x96: {  	_ =	strace s3  }
0x97: {  	_ =	strace $0x8FFFFFFF  }
0x98: {  	s19 =	sld [smem:$0x3FDB];
	_ =	sdelay $0x1  }
0x99: {  	s4 =	simm.s32 $_scs_section_size  }
0x9a: {  	s5 =	simm.s32 $_size__tile_overlayer_lowered;
	s6 =	simm.s32 $_tile_overlayer_lowered  }
0x9b: {  	s22 =	simm.s32 $0x1BFF;
	s21 =	sshll.u32 s6, $0x1;
	s3 =	sadd.s32 s4, s19  }
0x9c: {  	s7 =	simm.s32 $0x0;
	s20 =	sshll.u32 s5, $0x1;
	s5 =	sadd.s32 s21, s3  }
0x9d: {  	[timem:s7], [sflag:s22] =	dma.local [hbm:s5], s20  }
0x9e: {  	_ =	swait.ge [sflag:s22], s20  }
0x9f: {  	s4 =	ssub.s32 $0x0, s20;
	[sflag:s22] =	ssyncset.done $0x0  }
0xa0: {  	[sflag:s22] =	ssyncadd.s32 s4;
	_ =	sdelay $0x1  }
0xa1: {  	s23 =	simm.s32 $0x1B8B  }
0xa2: {  	_ =	swait.ge [sflag:s23], $0x1  }
0xa3: {  	[sflag:s23] =	ssyncset.done $0x0  }
0xa4: {  	s25 =	simm.s32 $0x1B8E;
	s24 =	sld [smem:$0x3FFE];
	[sflag:s23] =	ssyncadd.s32 $0xFFFFFFFF  }
0xa5: {  	s26 =	simm.s32 $execute0_lowered;
	[smem:$0x3FD2] =	sst s25  }
0xa6: {  	s5 =	sshll.u32 s26, $0x1;
	_ =	strace $0x80000049;
	[dreg:$0x1] =	wrdreg $0xFFFFFFFF  }
0xa7: {  	s28 =	simm.s32 $_size_execute0_lowered;
	s3 =	sadd.s32 s3, s5;
	[dreg:$0x0] =	wrdreg $0x0  }
0xa8: {  	s5 =	sshll.u32 s28, $0x1;
	[dreg:$0x2] =	wrdreg s3  }
0xa9: {  	[dreg:$0x3] =	wrdreg s5  }
0xaa: {  	[dreg:$0x4] =	wrdreg $0xC0  }
0xab: {  	_ =	task [dreg:s7], $0x5FFFF  }
0xac: {  	[dreg:$0x1] =	wrdreg $0xFFFFFFFF  }
0xad: {  	[dreg:$0x0] =	wrdreg $0x60  }
0xae: {  	[dreg:$0x2] =	wrdreg s24  }
0xaf: {  	[dreg:$0x3] =	wrdreg s2  }
0xb0: {  	[dreg:$0x4] =	wrdreg $0x68800  }
0xb1: {  	[dreg:$0x5] =	wrdreg $0x9  }
0xb2: {  	_ =	task.clear_ibuf [dreg:s7], $0x6FFFF;
	_ =	strace $0x90000049  }
0xb3: {  	s29 =	simm.s32 $0x9;
	_ =	strace $0x8000004B  }
0xb4: {  	_ =	swait.ge [sflag:s29], $0x1  }
0xb5: {  	[sflag:s29] =	ssyncadd.s32 $0xFFFFFFFF  }
0xb6: {  	_ =	strace $0x9000004B  }
0xb7: {  	_ =	sfence  }
0xb8: {  	s30 =	sld [smem:$0x0];
	_ =	sdelay $0x2  }
0xb9: {  	s31 =	sshll.u32 s1, $0xD;
	s1 =	sshrl.u32 s1, $0x2  }
0xba: {  	s3 =	sand.u32 $0x4000, s31;
	s1 =	sadd.s32 s1, s30  }
0xbb: {  	s0 =	sor.u32 s3, s0;
	s1 =	sshll.u32 s1, $0x11  }
0xbc: {  	s0 =	sor.u32 s1, s0  }
0xbd: {  	s0 =	sadd.s32 $0x8F2B, s0  }
0xbe: {  	[sflag:s0] =	ssyncadd.remote.s32 $0x1  }
0xbf: {  	_ =	sfence.sel $0xFFFF  }
0xc0: {  	[dreg:$0x0] =	wrdreg $0xFFFFFFFF;
	(pc) =	sbr.abs _section_cstart, $3  }
0xc1: {  	[dreg:$0x1] =	wrdreg $0xFFFFFFFF  }
0xc2: {  	_ =	task.clear_ibuf [dreg:s7], $0x2FFFF;
	_ =	strace $0x9FFFFFFF  }
0xc3: {  	(tm) =	ssettm $0x7FFFFFFF  }
tec
execute0_lowered:
.L_overlay_start_1:
0x0: {  	(tag) =	ssettag $0x1  }
0x1: {  	s0 =	srdreg.scid  }
0x2: {  	s4 =	rddreg [dreg:$0x0];
	s6 =	sand.u32 $0x1, s0  }
0x3: {  	s0 =	stileid.u32;
	s5 =	smul.u32 $0x140000, s6  }
0x4: {  	s12 =	rddreg [dreg:$0x1];
	s7 =	smul.u32 $0x14000, s0  }
0x5: {  	s2 =	rddreg [dreg:$0x2];
	s8 =	smul.u32 $0x4E200, s0  }
0x6: {  	s1 =	rddreg [dreg:$0x3];
	s3 =	simm.s32 $0x0;
	s28 =	smul.u32 $0x50000, s0  }
0x7: {  	s16 =	simm.s32 $0x50;
	[smem:$0x7FF] =	sst s3;
	s11 =	smul.u32 $0x27100, s6  }
0x8: {  	s19 =	simm.s32 $0x0;
	_ =	strace $0x8000004A;
	s13 =	smul.u32 $0x4E20, s0  }
0x9: {  	s29 =	ssub.s32 $0x2, s6;
	s15 =	smul.u32 $0x2710, s6;
	s17 =	sshll.u32 s0, $0x6  }
0xa: {  	s31 =	sshrl.u32 s29, $0x1;
	s17 =	sor.u32 $0x1C01, s17;
	s5 =	sadd.s32 s7, s5  }
0xb: {  	s10 =	sadd.s32 s8, s4;
	s30 =	sshrl.u32 s28, $0x2;
	s14 =	ssub.s32 s29, s31  }
0xc: {  	s13 =	sadd.s32 s15, s13;
	s15 =	simm.s32 $0x80;
	s5 =	sshrl.u32 s5, $0x3  }
0xd: {  	s11 =	sadd.s32 s11, s10;
	s10 =	smax.u32 s14, $0x1;
	s13 =	sshrl.u32 s13, $0x3  }
0xe: {  	s14 =	simm.s32 $0x1;
	s9 =	sadd.s32 s5, s4;
	s4 =	sadd.s32 s30, s2  }
0xf: {  	s11 =	sadd.s32 $0x13DB600, s11;
	s12 =	sadd.s32 s13, s12;
	s13 =	simm.s32 $0x2880  }
0x10: {  	s5 =	sadd.s32 $0x4000, s4;
	s6 =	sadd.s32 $0x8000, s4;
	s7 =	sadd.s32 $0xC000, s4  }
0x11: {  	v0 =	vimm.f32 $0.0e+00;
	s8 =	sadd.s32 $0x10000, s4;
	s9 =	sadd.s32 $0x3600, s9;
	s18 =	sshrl.u32 s4, $0x3  }
.LBB2_1:
0x12: {  	s20 =	simm.s32 $0x0;
	s21 =	simm.s32 $0x200  }
.LBB2_2:
0x13: {  	p0 =	sne.s32 s21, $0xFE00;
	[tilespmem:s20+$0x28F0] =	vst v0  }
0x14: {  	[tilespmem:s20+$0x2880] =	vst v0  }
0x15: {  	[tilespmem:s20+$0x2890] =	vst v0  }
.Ltmp0:
0x16: {  	[tilespmem:s20+$0x28A0] =	vst v0;
	(pc) =	sbr.rel @p0 .LBB2_2-.Ltmp0, $4  }
0x17: {  	[tilespmem:s20+$0x28B0] =	vst v0  }
0x18: {  	[tilespmem:s20+$0x28C0] =	vst v0  }
0x19: {  	[tilespmem:s20+$0x28D0] =	vst v0  }
0x1a: {  	[tilespmem:s20+$0x28E0] =	vst v0;
	s20 =	sshra.s32 s21, $0x2;
	s21 =	sadd.s32 $0x200, s21  }
0x1b: {  	[tilespmem:s20+$0x28F0] =	vst v0  }
0x1c: {  	[tilespmem:s20+$0x2880] =	vst v0  }
0x1d: {  	[tilespmem:s20+$0x2890] =	vst v0  }
0x1e: {  	[tilespmem:s20+$0x28A0] =	vst v0  }
0x1f: {  	[tilespmem:s20+$0x28B0] =	vst v0  }
0x20: {  	[tilespmem:s20+$0x28C0] =	vst v0  }
0x21: {  	[tilespmem:s20+$0x28D0] =	vst v0  }
0x22: {  	[tilespmem:s20+$0x28E0] =	vst v0  }
0x23: {  	[spmem:s4] =	stream.linear.scatter [tilespmem:s13], [sflag:$0x1], $0x4000, $0x38;
	[tilespmem:$0x1A880] =	vst v63  }
0x24: {  	_ =	swait.ge [sflag:s14], $0x4000  }
0x25: {  	[sflag:s14] =	ssyncset.done $0x0  }
0x26: {  	[sflag:s14] =	ssyncadd.s32 $0xFFFFC000  }
0x27: {  	[spmem:s5] =	stream.linear.scatter [tilespmem:s13], [sflag:$0x1], $0x4000, $0x38;
	[tilespmem:$0x1A880] =	vst v63  }
0x28: {  	_ =	swait.ge [sflag:s14], $0x4000  }
0x29: {  	[sflag:s14] =	ssyncset.done $0x0  }
0x2a: {  	[sflag:s14] =	ssyncadd.s32 $0xFFFFC000  }
0x2b: {  	[spmem:s6] =	stream.linear.scatter [tilespmem:s13], [sflag:$0x1], $0x4000, $0x38;
	[tilespmem:$0x1A880] =	vst v63  }
0x2c: {  	_ =	swait.ge [sflag:s14], $0x4000  }
0x2d: {  	[sflag:s14] =	ssyncset.done $0x0  }
0x2e: {  	[sflag:s14] =	ssyncadd.s32 $0xFFFFC000  }
0x2f: {  	[spmem:s7] =	stream.linear.scatter [tilespmem:s13], [sflag:$0x1], $0x4000, $0x38;
	[tilespmem:$0x1A880] =	vst v63  }
0x30: {  	_ =	swait.ge [sflag:s14], $0x4000  }
0x31: {  	[sflag:s14] =	ssyncset.done $0x0  }
0x32: {  	[sflag:s14] =	ssyncadd.s32 $0xFFFFC000  }
0x33: {  	[spmem:s8] =	stream.linear.scatter [tilespmem:s13], [sflag:$0x1], $0x4000, $0x38;
	[tilespmem:$0x1A880] =	vst v63  }
0x34: {  	_ =	swait.ge [sflag:s14], $0x4000  }
0x35: {  	[sflag:s14] =	ssyncset.done $0x0  }
0x36: {  	[sflag:s14] =	ssyncadd.s32 $0xFFFFC000  }
0x37: {  	s31 =	sadd.s32 $0x0, s12;
	[bflag:$0x0] =	sbarrier.arrive $0xFFFF  }
0x38: {  	[tilespmem:s3], [sflag:$0x1] =	stream.linear.gather [hbm4b:s31+s3], $0x50, $0x38;
	[tilespmem:$0x1A880] =	vst v63  }
0x39: {  	_ =	swait.ge [sflag:s14], $0x50  }
0x3a: {  	[sflag:s14] =	ssyncset.done $0x0  }
0x3b: {  	[sflag:s14] =	ssyncadd.s32 $0xFFFFFFB0  }
0x3c: {  	[tilespmem:s15], [sflag:$0x1] =	stream.linear.gather [hbm4b:s11+s3], $0x2800, $0x38;
	[tilespmem:$0x1A880] =	vst v63  }
0x3d: {  	_ =	swait.ge [sflag:s14], $0x2800  }
0x3e: {  	[sflag:s14] =	ssyncset.done $0x0  }
0x3f: {  	[sflag:s14] =	ssyncadd.s32 $0xFFFFD800  }
0x40: {  	[spmem:s2] =	stream.indirect.scatter.add.f32 [tilespmem:s15], [sflag:$0x1], $0x80, s3, s16, $0xb8;
	[tilespmem:$0x1A880] =	vst v63  }
0x41: {  	s21 =	simm.s32 $0xA;
	_ =	swait.ge [sflag:s14], $0x2800  }
0x42: {  	s22 =	simm.s32 $0x14;
	s20 =	sadd.s32 $0x500, s11;
	[sflag:s14] =	ssyncset.done $0x0  }
.LBB2_4:
0x43: {  	s23 =	sadd.s32 s21, s12  }
0x44: {  	[sflag:s14] =	ssyncadd.s32 $0xFFFFD800;
	s21 =	smov.u32 s22;
	s24 =	sadd.s32 $0xA, s22  }
0x45: {  	[tilespmem:s3], [sflag:$0x1] =	stream.linear.gather [hbm4b:s23+s3], $0x50, $0x38;
	[tilespmem:$0x1A880] =	vst v63  }
0x46: {  	p0 =	sne.s32 s22, $0x4D8;
	_ =	swait.ge [sflag:s14], $0x50  }
0x47: {  	[sflag:s14] =	ssyncset.done $0x0  }
0x48: {  	[sflag:s14] =	ssyncadd.s32 $0xFFFFFFB0  }
0x49: {  	[tilespmem:s15], [sflag:$0x1] =	stream.linear.gather [hbm4b:s20+s3], $0x2800, $0x38;
	[tilespmem:$0x1A880] =	vst v63  }
0x4a: {  	_ =	swait.ge [sflag:s14], $0x2800  }
.Ltmp1:
0x4b: {  	[sflag:s14] =	ssyncset.done $0x0;
	(pc) =	sbr.rel @p0 .LBB2_4-.Ltmp1, $4  }
0x4c: {  	[sflag:s14] =	ssyncadd.s32 $0xFFFFD800  }
0x4d: {  	[spmem:s2] =	stream.indirect.scatter.add.f32 [tilespmem:s15], [sflag:$0x1], $0x80, s3, s16, $0xb8;
	[tilespmem:$0x1A880] =	vst v63  }
0x4e: {  	_ =	swait.ge [sflag:s14], $0x2800  }
0x4f: {  	s22 =	smov.u32 s24;
	s20 =	sadd.s32 $0x500, s20;
	[sflag:s14] =	ssyncset.done $0x0  }
0x50: {  	s21 =	sadd.s32 s21, s12;
	[sflag:s14] =	ssyncadd.s32 $0xFFFFD800  }
0x51: {  	[tilespmem:s3], [sflag:$0x1] =	stream.linear.gather [hbm4b:s21+s3], $0x50, $0x38;
	[tilespmem:$0x1A880] =	vst v63  }
0x52: {  	_ =	swait.ge [sflag:s14], $0x50  }
0x53: {  	[sflag:s14] =	ssyncset.done $0x0  }
0x54: {  	[sflag:s14] =	ssyncadd.s32 $0xFFFFFFB0  }
0x55: {  	[tilespmem:s15], [sflag:$0x1] =	stream.linear.gather [hbm4b:s20+s3], $0x2800, $0x38;
	[tilespmem:$0x1A880] =	vst v63  }
0x56: {  	_ =	swait.ge [sflag:s14], $0x2800  }
0x57: {  	[sflag:s14] =	ssyncset.done $0x0  }
0x58: {  	[sflag:s14] =	ssyncadd.s32 $0xFFFFD800  }
0x59: {  	[spmem:s2] =	stream.indirect.scatter.add.f32 [tilespmem:s15], [sflag:$0x1], $0x80, s3, s16, $0xb8;
	[tilespmem:$0x1A880] =	vst v63  }
0x5a: {  	_ =	swait.ge [sflag:s14], $0x2800  }
0x5b: {  	s19 =	sadd.s32 $0x1, s19;
	[sflag:s14] =	ssyncset.done $0x0  }
0x5c: {  	p0 =	sne.s32 s19, s10;
	[sflag:s14] =	ssyncadd.s32 $0xFFFFD800  }
.Ltmp2:
0x5d: {  	[bflag:$0x0] =	sbarrier.arrive $0xFFFF;
	(pc) =	sbr.rel @p0 .LBB2_1-.Ltmp2, $4  }
0x5e: {  	[hbm:s9], [sflag:s17] =	dma.local [spmem:s18], $0x2800  }
0x5f: {  	_ =	swait.ge [sflag:s14], $0x2800  }
0x60: {  	[sflag:s14] =	ssyncset.done $0x0  }
0x61: {  	[sflag:s14] =	ssyncadd.s32 $0xFFFFD800  }
0x62: {  	_ =	sfence.sel $0x180000  }
0x63: {  	[bflag:$0x0] =	sbarrier.arrive $0xFFFF  }
0x64: {  	p0 =	sne.s32 s0, $0x0;
	_ =	strace $0x9000004A  }
0x65: {  	s0 =	sadd.s32 @!p0 $0x100000, s1;
	[bflag:$0x2] =	sbarrier.arrive $0xFFFF  }
0x66: {  	[sflag:s0] =	ssyncadd.tile.s32 @!p0 $0x1;
	_ =	shalt  }
.Lfunc_end2:
_tile_overlayer_lowered:
.L_overlay_start_2:
0x67: {  	(tag) =	ssettag $0x2  }
0x68: {  	s0 =	rddreg [dreg:$0x0];
	s2 =	stileid.u32  }
0x69: {  	s1 =	rddreg [dreg:$0x1];
	p0 =	sne.s32 s2, $0x0  }
0x6a: {  	s3 =	rddreg [dreg:$0x2];
	[bflag:$0x3] =	sbarrier.arrive $0xFFFF;
	s2 =	simm.s32 @!p0 $0x1C01  }
0x6b: {  	[timem:s3], [sflag:s2] =	dma.local @!p0 [hbm:s0], s1  }
0x6c: {  	s0 =	simm.s32 @!p0 $0x1  }
0x6d: {  	_ =	swait.ge @!p0 [sflag:s0], s1  }
0x6e: {  	s1 =	ssub.s32 @!p0 $0x0, s1;
	[sflag:s0] =	ssyncset.done @!p0 $0x0  }
0x6f: {  	[sflag:s0] =	ssyncadd.s32 @!p0 s1  }
0x70: {  	[bflag:$0x3] =	sbarrier.arrive $0xFFFF  }
0x71: {  	_ =	shalt  }

</sc_bundles>
